<compile_context>
chip_gen: v7x
topology: tpu7x:2x2x1
jax: 0.10.2.dev20260603
libtpu: 0.0.44.dev20260713+nightly
codegen_flags: <defaults>
</compile_context>

<pallas_src>
import functools

import jax
import jax.numpy as jnp
from jax import lax
from jax.experimental import pallas as pl
from jax.experimental.pallas import tpu as pltpu
from jax.experimental.pallas import tpu_sc as plsc

_K = 64
_L = 16
_RPW = 4
_T = 4096
_NCHUNK = _T // _L
_NSUPER = _NCHUNK // _L
_NEG_INF = float("-inf")


def _matmul_body(x_ref, w_ref, out_ref):
    out_ref[0] = jax.lax.dot_general(
        w_ref[...], x_ref[0],
        dimension_numbers=(((1,), (1,)), ((), ())),
        preferred_element_type=jnp.float32,
    )


def _sc_topk_body(scores_hbm, idx_hbm, val_hbm, rows_v, l1_v, oidx_v, oval_v):
    wid = lax.axis_index("s") * 2 + lax.axis_index("c")
    base = wid * _RPW
    pltpu.sync_copy(scores_hbm.at[pl.ds(base * _T, _RPW * _T)], rows_v)

    iota = lax.iota(jnp.int32, _L)

    def build(s, l2s):
        out = []
        for r in range(_RPW):
            goff = r * _T + s * (_L * _L) + iota * _L
            acc = plsc.load_gather(rows_v, [goff])
            for j in range(1, _L):
                acc = jnp.maximum(acc, plsc.load_gather(rows_v, [goff + j]))
            l1_v[pl.ds(r * _NCHUNK + s * _L, _L)] = acc
            sm = lax.reduce_max(acc, axes=(0,))
            out.append(jnp.where(iota == s, sm, l2s[r]))
        return tuple(out)

    l2s = tuple(jnp.full((_L,), _NEG_INF, jnp.float32) for _ in range(_RPW))
    l2s = lax.fori_loop(0, _NSUPER, build, l2s)

    R_ = range(_RPW)

    def extract(k, l2s):
        ms = [lax.reduce_max(l2s[r], axes=(0,)) for r in R_]
        ss = [plsc.all_reduce_ffs(l2s[r] == ms[r])[0] for r in R_]
        l1cs = [l1_v[pl.ds(r * _NCHUNK + ss[r] * _L, _L)] for r in R_]
        cs = [ss[r] * _L + plsc.all_reduce_ffs(l1cs[r] == ms[r])[0]
              for r in R_]
        dvs = [rows_v[pl.ds(r * _T + cs[r] * _L, _L)] for r in R_]
        lxs = [plsc.all_reduce_ffs(dvs[r] == ms[r])[0] for r in R_]
        kq, kr = k // _L, k % _L
        for r in R_:
            ob = r * _K + kq * _L
            oi = oidx_v[pl.ds(ob, _L)]
            oidx_v[pl.ds(ob, _L)] = jnp.where(
                iota == kr, cs[r] * _L + lxs[r], oi)
            ov = oval_v[pl.ds(ob, _L)]
            oval_v[pl.ds(ob, _L)] = jnp.where(iota == kr, ms[r], ov)
        dv2s = [jnp.where(iota == lxs[r], _NEG_INF, dvs[r]) for r in R_]
        for r in R_:
            rows_v[pl.ds(r * _T + cs[r] * _L, _L)] = dv2s[r]
        nms = [lax.reduce_max(dv2s[r], axes=(0,)) for r in R_]
        l1c2s = [jnp.where(iota == cs[r] - ss[r] * _L, nms[r],
                           l1_v[pl.ds(r * _NCHUNK + ss[r] * _L, _L)])
                 for r in R_]
        for r in R_:
            l1_v[pl.ds(r * _NCHUNK + ss[r] * _L, _L)] = l1c2s[r]
        sms = [lax.reduce_max(l1c2s[r], axes=(0,)) for r in R_]
        return tuple(jnp.where(iota == ss[r], sms[r], l2s[r]) for r in R_)

    lax.fori_loop(0, _K, extract, l2s)

    pltpu.sync_copy(oidx_v, idx_hbm.at[pl.ds(base * _K, _RPW * _K)])
    pltpu.sync_copy(oval_v, val_hbm.at[pl.ds(base * _K, _RPW * _K)])


def kernel(x, W):
    B, T, D = x.shape
    H = W.shape[0]
    Tt = 1024

    scores = pl.pallas_call(
        _matmul_body,
        grid=(B, T // Tt),
        in_specs=[
            pl.BlockSpec((1, Tt, D), lambda b, t: (b, t, 0)),
            pl.BlockSpec((H, D), lambda b, t: (0, 0)),
        ],
        out_specs=pl.BlockSpec((1, H, Tt), lambda b, t: (b, 0, t)),
        out_shape=jax.ShapeDtypeStruct((B, H, T), jnp.float32),
    )(x, W)

    R = B * H
    mesh = plsc.VectorSubcoreMesh(core_axis_name="c", subcore_axis_name="s")
    topk = functools.partial(
        pl.kernel,
        mesh=mesh,
        out_type=[
            jax.ShapeDtypeStruct((R * _K,), jnp.int32),
            jax.ShapeDtypeStruct((R * _K,), jnp.float32),
        ],
        scratch_types=[
            pltpu.VMEM((_RPW * _T,), jnp.float32),
            pltpu.VMEM((_RPW * _NCHUNK,), jnp.float32),
            pltpu.VMEM((_RPW * _K,), jnp.int32),
            pltpu.VMEM((_RPW * _K,), jnp.float32),
        ],
        compiler_params=pltpu.CompilerParams(
            needs_layout_passes=False, use_tc_tiling_on_sc=False),
    )(_sc_topk_body)

    idx, val = topk(scores.reshape(R * T))
    return idx.reshape(B, H, _K), val.reshape(B, H, _K)

# --- scband reference (transcript-rebuilt; emitter-appended) ---
"""Pipeline reference for scband-sub-qrouter-26233660244179 (READ-ONLY COPY).

The authoritative reference and input builder live on the scoring server;
editing this copy changes nothing except your own understanding.
"""

import jax, jax.numpy as jnp
import numpy as np

TOP_K = 64

def setup_inputs(seed: int = 0) -> dict:
    key = jax.random.key(seed)
    k1, k2 = jax.random.split(key)
    x = jax.random.normal(k1, (4, 4096, 2048), dtype=jnp.float32)
    # nn.Linear(dim, n_heads, bias=False) weight: [n_heads, dim]
    W = jax.random.normal(k2, (32, 2048), dtype=jnp.float32) * (1.0 / np.sqrt(2048))
    return {"x": x, "W": W}

def reference(x, W):
    # router_scores = x @ W.T  -> [B, T, H]
    router_scores = jnp.einsum('btd,hd->bht', x, W)  # permuted to [B, H, T]
    T = x.shape[1]
    actual_k = min(TOP_K, T)
    topk_scores, topk_indices = jax.lax.top_k(router_scores, actual_k)
    return (topk_indices, topk_scores)

if __name__ == "__main__":
    import jax
    _d = setup_inputs()
    print(jax.jit(kernel)(*tuple(_d.values())))

</pallas_src>

<mosaic_0001>
#map = affine_map<(d0, d1) -> (0)>
module attributes {stable_mosaic.version = 14 : i64} {
  func.func @_sc_topk_body(%arg0: i32, %arg1: i32, %arg2: memref<524288xf32, #tpu.memory_space<hbm>>, %arg3: memref<8192xi32, #tpu.memory_space<hbm>>, %arg4: memref<8192xf32, #tpu.memory_space<hbm>>, %arg5: memref<16384xf32, #tpu.memory_space<vmem>>, %arg6: memref<1024xf32, #tpu.memory_space<vmem>>, %arg7: memref<256xi32, #tpu.memory_space<vmem>>, %arg8: memref<256xf32, #tpu.memory_space<vmem>>) attributes {dimension_semantics = [#tpu.dimension_semantics<core_parallel>, #tpu.dimension_semantics<subcore_parallel>], iteration_bounds = array<i64: 2, 16>, scalar_prefetch = 0 : i64, scratch_operands = 4 : i64, tpu.core_type = #tpu.core_type<sc_vector_subcore>, window_params = [{transform_indices = #map}, {transform_indices = #map}, {transform_indices = #map}]} {
    %mul3A = arith.constant 2 : i32
    %mul3A_0 = arith.muli %arg1, %mul3A : i32
    %add3A = arith.addi %mul3A_0, %arg0 : i32
    %mul3A_1 = arith.constant 4 : i32
    %mul3A_2 = arith.muli %add3A, %mul3A_1 : i32
    %mul3A_3 = arith.constant 4096 : i32
    %mul3A_4 = arith.muli %mul3A_2, %mul3A_3 : i32
    "tpu.region"() ({
      %run_scoped3A = tpu.sem_alloc : memref<!tpu.dma_semaphore, #tpu.memory_space<semaphore_mem>>
      %dma_start3A = tpu.memref_slice %arg2[%mul3A_4] : memref<524288xf32, #tpu.memory_space<hbm>> -> memref<16384xf32, #tpu.memory_space<hbm>>
      %dma_start3A_27 = tpu.memref_slice %arg2[%mul3A_4] : memref<524288xf32, #tpu.memory_space<hbm>> -> memref<16384xf32, #tpu.memory_space<hbm>>
      tpu.enqueue_dma source(%dma_start3A_27 : memref<16384xf32, #tpu.memory_space<hbm>>) target(%arg5 : memref<16384xf32, #tpu.memory_space<vmem>>) target_semaphore(%run_scoped3A : memref<!tpu.dma_semaphore, #tpu.memory_space<semaphore_mem>>)
      %dma_wait3A = tpu.memref_slice %arg2[%mul3A_4] : memref<524288xf32, #tpu.memory_space<hbm>> -> memref<16384xf32, #tpu.memory_space<hbm>>
      %dma_wait3A_28 = tpu.memref_slice %arg2[%mul3A_4] : memref<524288xf32, #tpu.memory_space<hbm>> -> memref<16384xf32, #tpu.memory_space<hbm>>
      tpu.wait_dma2 semaphore(%run_scoped3A : memref<!tpu.dma_semaphore, #tpu.memory_space<semaphore_mem>>) src(%dma_wait3A_28 : memref<16384xf32, #tpu.memory_space<hbm>>) dst(%arg5 : memref<16384xf32, #tpu.memory_space<vmem>>)
      tpu.yield
    }) : () -> ()
    %iota3A = tpu.iota {dimensions = array<i32: 0>} : vector<16xi32>
    %broadcast_in_dim3A = arith.constant 0xFF800000 : f32
    %broadcast_in_dim3A_5 = vector.broadcast %broadcast_in_dim3A : f32 to vector<16xf32>
    %broadcast_in_dim3A_6 = arith.constant 0xFF800000 : f32
    %broadcast_in_dim3A_7 = vector.broadcast %broadcast_in_dim3A_6 : f32 to vector<16xf32>
    %broadcast_in_dim3A_8 = arith.constant 0xFF800000 : f32
    %broadcast_in_dim3A_9 = vector.broadcast %broadcast_in_dim3A_8 : f32 to vector<16xf32>
    %broadcast_in_dim3A_10 = arith.constant 0xFF800000 : f32
    %broadcast_in_dim3A_11 = vector.broadcast %broadcast_in_dim3A_10 : f32 to vector<16xf32>
    %scan3A = arith.constant 0 : i32
    %scan3A_12 = arith.constant 16 : i32
    %scan3A_13 = arith.addi %scan3A, %scan3A_12 : i32
    %scan3A_14 = arith.constant 1 : i32
    %scan3A_15:4 = scf.for %scan3A_27 = %scan3A to %scan3A_13 step %scan3A_14 iter_args(%scan3A_28 = %broadcast_in_dim3A_5, %scan3A_29 = %broadcast_in_dim3A_7, %scan3A_30 = %broadcast_in_dim3A_9, %scan3A_31 = %broadcast_in_dim3A_11) -> (vector<16xf32>, vector<16xf32>, vector<16xf32>, vector<16xf32>)  : i32 {
      %mul3A_32 = arith.constant 256 : i32
      %mul3A_33 = arith.muli %scan3A_27, %mul3A_32 : i32
      %add3A_34 = arith.constant 0 : i32
      %add3A_35 = arith.addi %add3A_34, %mul3A_33 : i32
      %mul3A_36 = arith.constant 16 : i32
      %mul3A_37 = vector.broadcast %mul3A_36 : i32 to vector<16xi32>
      %mul3A_38 = arith.muli %iota3A, %mul3A_37 : vector<16xi32>
      %add3A_39 = vector.broadcast %add3A_35 : i32 to vector<16xi32>
      %add3A_40 = arith.addi %add3A_39, %mul3A_38 : vector<16xi32>
      %gather3A = tpu.vector_load_idx %arg5[%add3A_40] : memref<16384xf32, #tpu.memory_space<vmem>>[vector<16xi32>], vector<16xf32>,
      %add3A_41 = arith.constant 1 : i32
      %add3A_42 = vector.broadcast %add3A_41 : i32 to vector<16xi32>
      %add3A_43 = arith.addi %add3A_40, %add3A_42 : vector<16xi32>
      %gather3A_44 = tpu.vector_load_idx %arg5[%add3A_43] : memref<16384xf32, #tpu.memory_space<vmem>>[vector<16xi32>], vector<16xf32>,
      %max3A = arith.maximumf %gather3A, %gather3A_44 : vector<16xf32>
      %add3A_45 = arith.constant 2 : i32
      %add3A_46 = vector.broadcast %add3A_45 : i32 to vector<16xi32>
      %add3A_47 = arith.addi %add3A_40, %add3A_46 : vector<16xi32>
      %gather3A_48 = tpu.vector_load_idx %arg5[%add3A_47] : memref<16384xf32, #tpu.memory_space<vmem>>[vector<16xi32>], vector<16xf32>,
      %max3A_49 = arith.maximumf %max3A, %gather3A_48 : vector<16xf32>
      %add3A_50 = arith.constant 3 : i32
      %add3A_51 = vector.broadcast %add3A_50 : i32 to vector<16xi32>
      %add3A_52 = arith.addi %add3A_40, %add3A_51 : vector<16xi32>
      %gather3A_53 = tpu.vector_load_idx %arg5[%add3A_52] : memref<16384xf32, #tpu.memory_space<vmem>>[vector<16xi32>], vector<16xf32>,
      %max3A_54 = arith.maximumf %max3A_49, %gather3A_53 : vector<16xf32>
      %add3A_55 = arith.constant 4 : i32
      %add3A_56 = vector.broadcast %add3A_55 : i32 to vector<16xi32>
      %add3A_57 = arith.addi %add3A_40, %add3A_56 : vector<16xi32>
      %gather3A_58 = tpu.vector_load_idx %arg5[%add3A_57] : memref<16384xf32, #tpu.memory_space<vmem>>[vector<16xi32>], vector<16xf32>,
      %max3A_59 = arith.maximumf %max3A_54, %gather3A_58 : vector<16xf32>
      %add3A_60 = arith.constant 5 : i32
      %add3A_61 = vector.broadcast %add3A_60 : i32 to vector<16xi32>
      %add3A_62 = arith.addi %add3A_40, %add3A_61 : vector<16xi32>
      %gather3A_63 = tpu.vector_load_idx %arg5[%add3A_62] : memref<16384xf32, #tpu.memory_space<vmem>>[vector<16xi32>], vector<16xf32>,
      %max3A_64 = arith.maximumf %max3A_59, %gather3A_63 : vector<16xf32>
      %add3A_65 = arith.constant 6 : i32
      %add3A_66 = vector.broadcast %add3A_65 : i32 to vector<16xi32>
      %add3A_67 = arith.addi %add3A_40, %add3A_66 : vector<16xi32>
      %gather3A_68 = tpu.vector_load_idx %arg5[%add3A_67] : memref<16384xf32, #tpu.memory_space<vmem>>[vector<16xi32>], vector<16xf32>,
      %max3A_69 = arith.maximumf %max3A_64, %gather3A_68 : vector<16xf32>
      %add3A_70 = arith.constant 7 : i32
      %add3A_71 = vector.broadcast %add3A_70 : i32 to vector<16xi32>
      %add3A_72 = arith.addi %add3A_40, %add3A_71 : vector<16xi32>
      %gather3A_73 = tpu.vector_load_idx %arg5[%add3A_72] : memref<16384xf32, #tpu.memory_space<vmem>>[vector<16xi32>], vector<16xf32>,
      %max3A_74 = arith.maximumf %max3A_69, %gather3A_73 : vector<16xf32>
      %add3A_75 = arith.constant 8 : i32
      %add3A_76 = vector.broadcast %add3A_75 : i32 to vector<16xi32>
      %add3A_77 = arith.addi %add3A_40, %add3A_76 : vector<16xi32>
      %gather3A_78 = tpu.vector_load_idx %arg5[%add3A_77] : memref<16384xf32, #tpu.memory_space<vmem>>[vector<16xi32>], vector<16xf32>,
      %max3A_79 = arith.maximumf %max3A_74, %gather3A_78 : vector<16xf32>
      %add3A_80 = arith.constant 9 : i32
      %add3A_81 = vector.broadcast %add3A_80 : i32 to vector<16xi32>
      %add3A_82 = arith.addi %add3A_40, %add3A_81 : vector<16xi32>
      %gather3A_83 = tpu.vector_load_idx %arg5[%add3A_82] : memref<16384xf32, #tpu.memory_space<vmem>>[vector<16xi32>], vector<16xf32>,
      %max3A_84 = arith.maximumf %max3A_79, %gather3A_83 : vector<16xf32>
      %add3A_85 = arith.constant 10 : i32
      %add3A_86 = vector.broadcast %add3A_85 : i32 to vector<16xi32>
      %add3A_87 = arith.addi %add3A_40, %add3A_86 : vector<16xi32>
      %gather3A_88 = tpu.vector_load_idx %arg5[%add3A_87] : memref<16384xf32, #tpu.memory_space<vmem>>[vector<16xi32>], vector<16xf32>,
      %max3A_89 = arith.maximumf %max3A_84, %gather3A_88 : vector<16xf32>
      %add3A_90 = arith.constant 11 : i32
      %add3A_91 = vector.broadcast %add3A_90 : i32 to vector<16xi32>
      %add3A_92 = arith.addi %add3A_40, %add3A_91 : vector<16xi32>
      %gather3A_93 = tpu.vector_load_idx %arg5[%add3A_92] : memref<16384xf32, #tpu.memory_space<vmem>>[vector<16xi32>], vector<16xf32>,
      %max3A_94 = arith.maximumf %max3A_89, %gather3A_93 : vector<16xf32>
      %add3A_95 = arith.constant 12 : i32
      %add3A_96 = vector.broadcast %add3A_95 : i32 to vector<16xi32>
      %add3A_97 = arith.addi %add3A_40, %add3A_96 : vector<16xi32>
      %gather3A_98 = tpu.vector_load_idx %arg5[%add3A_97] : memref<16384xf32, #tpu.memory_space<vmem>>[vector<16xi32>], vector<16xf32>,
      %max3A_99 = arith.maximumf %max3A_94, %gather3A_98 : vector<16xf32>
      %add3A_100 = arith.constant 13 : i32
      %add3A_101 = vector.broadcast %add3A_100 : i32 to vector<16xi32>
      %add3A_102 = arith.addi %add3A_40, %add3A_101 : vector<16xi32>
      %gather3A_103 = tpu.vector_load_idx %arg5[%add3A_102] : memref<16384xf32, #tpu.memory_space<vmem>>[vector<16xi32>], vector<16xf32>,
      %max3A_104 = arith.maximumf %max3A_99, %gather3A_103 : vector<16xf32>
      %add3A_105 = arith.constant 14 : i32
      %add3A_106 = vector.broadcast %add3A_105 : i32 to vector<16xi32>
      %add3A_107 = arith.addi %add3A_40, %add3A_106 : vector<16xi32>
      %gather3A_108 = tpu.vector_load_idx %arg5[%add3A_107] : memref<16384xf32, #tpu.memory_space<vmem>>[vector<16xi32>], vector<16xf32>,
      %max3A_109 = arith.maximumf %max3A_104, %gather3A_108 : vector<16xf32>
      %add3A_110 = arith.constant 15 : i32
      %add3A_111 = vector.broadcast %add3A_110 : i32 to vector<16xi32>
      %add3A_112 = arith.addi %add3A_40, %add3A_111 : vector<16xi32>
      %gather3A_113 = tpu.vector_load_idx %arg5[%add3A_112] : memref<16384xf32, #tpu.memory_space<vmem>>[vector<16xi32>], vector<16xf32>,
      %max3A_114 = arith.maximumf %max3A_109, %gather3A_113 : vector<16xf32>
      %mul3A_115 = arith.constant 16 : i32
      %mul3A_116 = arith.muli %scan3A_27, %mul3A_115 : i32
      %add3A_117 = arith.constant 0 : i32
      %add3A_118 = arith.addi %add3A_117, %mul3A_116 : i32
      %swap3A = arith.index_cast %add3A_118 : i32 to index
      %swap3A_119 = tpu.vector_load %arg6[%swap3A] {strides = array<i32>} : memref<1024xf32, #tpu.memory_space<vmem>>, vector<16xf32>,
      tpu.vector_store %arg6[%swap3A], %max3A_114 {strides = array<i32>} : memref<1024xf32, #tpu.memory_space<vmem>>, vector<16xf32>,
      %reduce_max3A = arith.constant true
      %reduce_max3A_120 = vector.broadcast %reduce_max3A : i1 to vector<16xi1>
      %reduce_max3A_121 = tpu.scan <max>, %max3A_114 masked %reduce_max3A_120 : vector<16xf32>, vector<16xi1> -> vector<16xf32>
      %reduce_max3A_122 = vector.extract %reduce_max3A_121[15] : f32 from vector<16xf32>
      %eq3A = vector.broadcast %scan3A_27 : i32 to vector<16xi32>
      %eq3A_123 = arith.cmpi eq, %iota3A, %eq3A : vector<16xi32>
      %broadcast_in_dim3A_124 = vector.broadcast %reduce_max3A_122 : f32 to vector<16xf32>
      %select_n3A = arith.select %eq3A_123, %broadcast_in_dim3A_124, %scan3A_28 : vector<16xi1>, vector<16xf32>
      %mul3A_125 = arith.constant 256 : i32
      %mul3A_126 = arith.muli %scan3A_27, %mul3A_125 : i32
      %add3A_127 = arith.constant 4096 : i32
      %add3A_128 = arith.addi %add3A_127, %mul3A_126 : i32
      %mul3A_129 = arith.constant 16 : i32
      %mul3A_130 = vector.broadcast %mul3A_129 : i32 to vector<16xi32>
      %mul3A_131 = arith.muli %iota3A, %mul3A_130 : vector<16xi32>
      %add3A_132 = vector.broadcast %add3A_128 : i32 to vector<16xi32>
      %add3A_133 = arith.addi %add3A_132, %mul3A_131 : vector<16xi32>
      %gather3A_134 = tpu.vector_load_idx %arg5[%add3A_133] : memref<16384xf32, #tpu.memory_space<vmem>>[vector<16xi32>], vector<16xf32>,
      %add3A_135 = arith.constant 1 : i32
      %add3A_136 = vector.broadcast %add3A_135 : i32 to vector<16xi32>
      %add3A_137 = arith.addi %add3A_133, %add3A_136 : vector<16xi32>
      %gather3A_138 = tpu.vector_load_idx %arg5[%add3A_137] : memref<16384xf32, #tpu.memory_space<vmem>>[vector<16xi32>], vector<16xf32>,
      %max3A_139 = arith.maximumf %gather3A_134, %gather3A_138 : vector<16xf32>
      %add3A_140 = arith.constant 2 : i32
      %add3A_141 = vector.broadcast %add3A_140 : i32 to vector<16xi32>
      %add3A_142 = arith.addi %add3A_133, %add3A_141 : vector<16xi32>
      %gather3A_143 = tpu.vector_load_idx %arg5[%add3A_142] : memref<16384xf32, #tpu.memory_space<vmem>>[vector<16xi32>], vector<16xf32>,
      %max3A_144 = arith.maximumf %max3A_139, %gather3A_143 : vector<16xf32>
      %add3A_145 = arith.constant 3 : i32
      %add3A_146 = vector.broadcast %add3A_145 : i32 to vector<16xi32>
      %add3A_147 = arith.addi %add3A_133, %add3A_146 : vector<16xi32>
      %gather3A_148 = tpu.vector_load_idx %arg5[%add3A_147] : memref<16384xf32, #tpu.memory_space<vmem>>[vector<16xi32>], vector<16xf32>,
      %max3A_149 = arith.maximumf %max3A_144, %gather3A_148 : vector<16xf32>
      %add3A_150 = arith.constant 4 : i32
      %add3A_151 = vector.broadcast %add3A_150 : i32 to vector<16xi32>
      %add3A_152 = arith.addi %add3A_133, %add3A_151 : vector<16xi32>
      %gather3A_153 = tpu.vector_load_idx %arg5[%add3A_152] : memref<16384xf32, #tpu.memory_space<vmem>>[vector<16xi32>], vector<16xf32>,
      %max3A_154 = arith.maximumf %max3A_149, %gather3A_153 : vector<16xf32>
      %add3A_155 = arith.constant 5 : i32
      %add3A_156 = vector.broadcast %add3A_155 : i32 to vector<16xi32>
      %add3A_157 = arith.addi %add3A_133, %add3A_156 : vector<16xi32>
      %gather3A_158 = tpu.vector_load_idx %arg5[%add3A_157] : memref<16384xf32, #tpu.memory_space<vmem>>[vector<16xi32>], vector<16xf32>,
      %max3A_159 = arith.maximumf %max3A_154, %gather3A_158 : vector<16xf32>
      %add3A_160 = arith.constant 6 : i32
      %add3A_161 = vector.broadcast %add3A_160 : i32 to vector<16xi32>
      %add3A_162 = arith.addi %add3A_133, %add3A_161 : vector<16xi32>
      %gather3A_163 = tpu.vector_load_idx %arg5[%add3A_162] : memref<16384xf32, #tpu.memory_space<vmem>>[vector<16xi32>], vector<16xf32>,
      %max3A_164 = arith.maximumf %max3A_159, %gather3A_163 : vector<16xf32>
      %add3A_165 = arith.constant 7 : i32
      %add3A_166 = vector.broadcast %add3A_165 : i32 to vector<16xi32>
      %add3A_167 = arith.addi %add3A_133, %add3A_166 : vector<16xi32>
      %gather3A_168 = tpu.vector_load_idx %arg5[%add3A_167] : memref<16384xf32, #tpu.memory_space<vmem>>[vector<16xi32>], vector<16xf32>,
      %max3A_169 = arith.maximumf %max3A_164, %gather3A_168 : vector<16xf32>
      %add3A_170 = arith.constant 8 : i32
      %add3A_171 = vector.broadcast %add3A_170 : i32 to vector<16xi32>
      %add3A_172 = arith.addi %add3A_133, %add3A_171 : vector<16xi32>
      %gather3A_173 = tpu.vector_load_idx %arg5[%add3A_172] : memref<16384xf32, #tpu.memory_space<vmem>>[vector<16xi32>], vector<16xf32>,
      %max3A_174 = arith.maximumf %max3A_169, %gather3A_173 : vector<16xf32>
      %add3A_175 = arith.constant 9 : i32
      %add3A_176 = vector.broadcast %add3A_175 : i32 to vector<16xi32>
      %add3A_177 = arith.addi %add3A_133, %add3A_176 : vector<16xi32>
      %gather3A_178 = tpu.vector_load_idx %arg5[%add3A_177] : memref<16384xf32, #tpu.memory_space<vmem>>[vector<16xi32>], vector<16xf32>,
      %max3A_179 = arith.maximumf %max3A_174, %gather3A_178 : vector<16xf32>
      %add3A_180 = arith.constant 10 : i32
      %add3A_181 = vector.broadcast %add3A_180 : i32 to vector<16xi32>
      %add3A_182 = arith.addi %add3A_133, %add3A_181 : vector<16xi32>
      %gather3A_183 = tpu.vector_load_idx %arg5[%add3A_182] : memref<16384xf32, #tpu.memory_space<vmem>>[vector<16xi32>], vector<16xf32>,
      %max3A_184 = arith.maximumf %max3A_179, %gather3A_183 : vector<16xf32>
      %add3A_185 = arith.constant 11 : i32
      %add3A_186 = vector.broadcast %add3A_185 : i32 to vector<16xi32>
      %add3A_187 = arith.addi %add3A_133, %add3A_186 : vector<16xi32>
      %gather3A_188 = tpu.vector_load_idx %arg5[%add3A_187] : memref<16384xf32, #tpu.memory_space<vmem>>[vector<16xi32>], vector<16xf32>,
      %max3A_189 = arith.maximumf %max3A_184, %gather3A_188 : vector<16xf32>
      %add3A_190 = arith.constant 12 : i32
      %add3A_191 = vector.broadcast %add3A_190 : i32 to vector<16xi32>
      %add3A_192 = arith.addi %add3A_133, %add3A_191 : vector<16xi32>
      %gather3A_193 = tpu.vector_load_idx %arg5[%add3A_192] : memref<16384xf32, #tpu.memory_space<vmem>>[vector<16xi32>], vector<16xf32>,
      %max3A_194 = arith.maximumf %max3A_189, %gather3A_193 : vector<16xf32>
      %add3A_195 = arith.constant 13 : i32
      %add3A_196 = vector.broadcast %add3A_195 : i32 to vector<16xi32>
      %add3A_197 = arith.addi %add3A_133, %add3A_196 : vector<16xi32>
      %gather3A_198 = tpu.vector_load_idx %arg5[%add3A_197] : memref<16384xf32, #tpu.memory_space<vmem>>[vector<16xi32>], vector<16xf32>,
      %max3A_199 = arith.maximumf %max3A_194, %gather3A_198 : vector<16xf32>
      %add3A_200 = arith.constant 14 : i32
      %add3A_201 = vector.broadcast %add3A_200 : i32 to vector<16xi32>
      %add3A_202 = arith.addi %add3A_133, %add3A_201 : vector<16xi32>
      %gather3A_203 = tpu.vector_load_idx %arg5[%add3A_202] : memref<16384xf32, #tpu.memory_space<vmem>>[vector<16xi32>], vector<16xf32>,
      %max3A_204 = arith.maximumf %max3A_199, %gather3A_203 : vector<16xf32>
      %add3A_205 = arith.constant 15 : i32
      %add3A_206 = vector.broadcast %add3A_205 : i32 to vector<16xi32>
      %add3A_207 = arith.addi %add3A_133, %add3A_206 : vector<16xi32>
      %gather3A_208 = tpu.vector_load_idx %arg5[%add3A_207] : memref<16384xf32, #tpu.memory_space<vmem>>[vector<16xi32>], vector<16xf32>,
      %max3A_209 = arith.maximumf %max3A_204, %gather3A_208 : vector<16xf32>
      %mul3A_210 = arith.constant 16 : i32
      %mul3A_211 = arith.muli %scan3A_27, %mul3A_210 : i32
      %add3A_212 = arith.constant 256 : i32
      %add3A_213 = arith.addi %add3A_212, %mul3A_211 : i32
      %swap3A_214 = arith.index_cast %add3A_213 : i32 to index
      %swap3A_215 = tpu.vector_load %arg6[%swap3A_214] {strides = array<i32>} : memref<1024xf32, #tpu.memory_space<vmem>>, vector<16xf32>,
      tpu.vector_store %arg6[%swap3A_214], %max3A_209 {strides = array<i32>} : memref<1024xf32, #tpu.memory_space<vmem>>, vector<16xf32>,
      %reduce_max3A_216 = arith.constant true
      %reduce_max3A_217 = vector.broadcast %reduce_max3A_216 : i1 to vector<16xi1>
      %reduce_max3A_218 = tpu.scan <max>, %max3A_209 masked %reduce_max3A_217 : vector<16xf32>, vector<16xi1> -> vector<16xf32>
      %reduce_max3A_219 = vector.extract %reduce_max3A_218[15] : f32 from vector<16xf32>
      %eq3A_220 = vector.broadcast %scan3A_27 : i32 to vector<16xi32>
      %eq3A_221 = arith.cmpi eq, %iota3A, %eq3A_220 : vector<16xi32>
      %broadcast_in_dim3A_222 = vector.broadcast %reduce_max3A_219 : f32 to vector<16xf32>
      %select_n3A_223 = arith.select %eq3A_221, %broadcast_in_dim3A_222, %scan3A_29 : vector<16xi1>, vector<16xf32>
      %mul3A_224 = arith.constant 256 : i32
      %mul3A_225 = arith.muli %scan3A_27, %mul3A_224 : i32
      %add3A_226 = arith.constant 8192 : i32
      %add3A_227 = arith.addi %add3A_226, %mul3A_225 : i32
      %mul3A_228 = arith.constant 16 : i32
      %mul3A_229 = vector.broadcast %mul3A_228 : i32 to vector<16xi32>
      %mul3A_230 = arith.muli %iota3A, %mul3A_229 : vector<16xi32>
      %add3A_231 = vector.broadcast %add3A_227 : i32 to vector<16xi32>
      %add3A_232 = arith.addi %add3A_231, %mul3A_230 : vector<16xi32>
      %gather3A_233 = tpu.vector_load_idx %arg5[%add3A_232] : memref<16384xf32, #tpu.memory_space<vmem>>[vector<16xi32>], vector<16xf32>,
      %add3A_234 = arith.constant 1 : i32
      %add3A_235 = vector.broadcast %add3A_234 : i32 to vector<16xi32>
      %add3A_236 = arith.addi %add3A_232, %add3A_235 : vector<16xi32>
      %gather3A_237 = tpu.vector_load_idx %arg5[%add3A_236] : memref<16384xf32, #tpu.memory_space<vmem>>[vector<16xi32>], vector<16xf32>,
      %max3A_238 = arith.maximumf %gather3A_233, %gather3A_237 : vector<16xf32>
      %add3A_239 = arith.constant 2 : i32
      %add3A_240 = vector.broadcast %add3A_239 : i32 to vector<16xi32>
      %add3A_241 = arith.addi %add3A_232, %add3A_240 : vector<16xi32>
      %gather3A_242 = tpu.vector_load_idx %arg5[%add3A_241] : memref<16384xf32, #tpu.memory_space<vmem>>[vector<16xi32>], vector<16xf32>,
      %max3A_243 = arith.maximumf %max3A_238, %gather3A_242 : vector<16xf32>
      %add3A_244 = arith.constant 3 : i32
      %add3A_245 = vector.broadcast %add3A_244 : i32 to vector<16xi32>
      %add3A_246 = arith.addi %add3A_232, %add3A_245 : vector<16xi32>
      %gather3A_247 = tpu.vector_load_idx %arg5[%add3A_246] : memref<16384xf32, #tpu.memory_space<vmem>>[vector<16xi32>], vector<16xf32>,
      %max3A_248 = arith.maximumf %max3A_243, %gather3A_247 : vector<16xf32>
      %add3A_249 = arith.constant 4 : i32
      %add3A_250 = vector.broadcast %add3A_249 : i32 to vector<16xi32>
      %add3A_251 = arith.addi %add3A_232, %add3A_250 : vector<16xi32>
      %gather3A_252 = tpu.vector_load_idx %arg5[%add3A_251] : memref<16384xf32, #tpu.memory_space<vmem>>[vector<16xi32>], vector<16xf32>,
      %max3A_253 = arith.maximumf %max3A_248, %gather3A_252 : vector<16xf32>
      %add3A_254 = arith.constant 5 : i32
      %add3A_255 = vector.broadcast %add3A_254 : i32 to vector<16xi32>
      %add3A_256 = arith.addi %add3A_232, %add3A_255 : vector<16xi32>
      %gather3A_257 = tpu.vector_load_idx %arg5[%add3A_256] : memref<16384xf32, #tpu.memory_space<vmem>>[vector<16xi32>], vector<16xf32>,
      %max3A_258 = arith.maximumf %max3A_253, %gather3A_257 : vector<16xf32>
      %add3A_259 = arith.constant 6 : i32
      %add3A_260 = vector.broadcast %add3A_259 : i32 to vector<16xi32>
      %add3A_261 = arith.addi %add3A_232, %add3A_260 : vector<16xi32>
      %gather3A_262 = tpu.vector_load_idx %arg5[%add3A_261] : memref<16384xf32, #tpu.memory_space<vmem>>[vector<16xi32>], vector<16xf32>,
      %max3A_263 = arith.maximumf %max3A_258, %gather3A_262 : vector<16xf32>
      %add3A_264 = arith.constant 7 : i32
      %add3A_265 = vector.broadcast %add3A_264 : i32 to vector<16xi32>
      %add3A_266 = arith.addi %add3A_232, %add3A_265 : vector<16xi32>
      %gather3A_267 = tpu.vector_load_idx %arg5[%add3A_266] : memref<16384xf32, #tpu.memory_space<vmem>>[vector<16xi32>], vector<16xf32>,
      %max3A_268 = arith.maximumf %max3A_263, %gather3A_267 : vector<16xf32>
      %add3A_269 = arith.constant 8 : i32
      %add3A_270 = vector.broadcast %add3A_269 : i32 to vector<16xi32>
      %add3A_271 = arith.addi %add3A_232, %add3A_270 : vector<16xi32>
      %gather3A_272 = tpu.vector_load_idx %arg5[%add3A_271] : memref<16384xf32, #tpu.memory_space<vmem>>[vector<16xi32>], vector<16xf32>,
      %max3A_273 = arith.maximumf %max3A_268, %gather3A_272 : vector<16xf32>
      %add3A_274 = arith.constant 9 : i32
      %add3A_275 = vector.broadcast %add3A_274 : i32 to vector<16xi32>
      %add3A_276 = arith.addi %add3A_232, %add3A_275 : vector<16xi32>
      %gather3A_277 = tpu.vector_load_idx %arg5[%add3A_276] : memref<16384xf32, #tpu.memory_space<vmem>>[vector<16xi32>], vector<16xf32>,
      %max3A_278 = arith.maximumf %max3A_273, %gather3A_277 : vector<16xf32>
      %add3A_279 = arith.constant 10 : i32
      %add3A_280 = vector.broadcast %add3A_279 : i32 to vector<16xi32>
      %add3A_281 = arith.addi %add3A_232, %add3A_280 : vector<16xi32>
      %gather3A_282 = tpu.vector_load_idx %arg5[%add3A_281] : memref<16384xf32, #tpu.memory_space<vmem>>[vector<16xi32>], vector<16xf32>,
      %max3A_283 = arith.maximumf %max3A_278, %gather3A_282 : vector<16xf32>
      %add3A_284 = arith.constant 11 : i32
      %add3A_285 = vector.broadcast %add3A_284 : i32 to vector<16xi32>
      %add3A_286 = arith.addi %add3A_232, %add3A_285 : vector<16xi32>
      %gather3A_287 = tpu.vector_load_idx %arg5[%add3A_286] : memref<16384xf32, #tpu.memory_space<vmem>>[vector<16xi32>], vector<16xf32>,
      %max3A_288 = arith.maximumf %max3A_283, %gather3A_287 : vector<16xf32>
      %add3A_289 = arith.constant 12 : i32
      %add3A_290 = vector.broadcast %add3A_289 : i32 to vector<16xi32>
      %add3A_291 = arith.addi %add3A_232, %add3A_290 : vector<16xi32>
      %gather3A_292 = tpu.vector_load_idx %arg5[%add3A_291] : memref<16384xf32, #tpu.memory_space<vmem>>[vector<16xi32>], vector<16xf32>,
      %max3A_293 = arith.maximumf %max3A_288, %gather3A_292 : vector<16xf32>
      %add3A_294 = arith.constant 13 : i32
      %add3A_295 = vector.broadcast %add3A_294 : i32 to vector<16xi32>
      %add3A_296 = arith.addi %add3A_232, %add3A_295 : vector<16xi32>
      %gather3A_297 = tpu.vector_load_idx %arg5[%add3A_296] : memref<16384xf32, #tpu.memory_space<vmem>>[vector<16xi32>], vector<16xf32>,
      %max3A_298 = arith.maximumf %max3A_293, %gather3A_297 : vector<16xf32>
      %add3A_299 = arith.constant 14 : i32
      %add3A_300 = vector.broadcast %add3A_299 : i32 to vector<16xi32>
      %add3A_301 = arith.addi %add3A_232, %add3A_300 : vector<16xi32>
      %gather3A_302 = tpu.vector_load_idx %arg5[%add3A_301] : memref<16384xf32, #tpu.memory_space<vmem>>[vector<16xi32>], vector<16xf32>,
      %max3A_303 = arith.maximumf %max3A_298, %gather3A_302 : vector<16xf32>
      %add3A_304 = arith.constant 15 : i32
      %add3A_305 = vector.broadcast %add3A_304 : i32 to vector<16xi32>
      %add3A_306 = arith.addi %add3A_232, %add3A_305 : vector<16xi32>
      %gather3A_307 = tpu.vector_load_idx %arg5[%add3A_306] : memref<16384xf32, #tpu.memory_space<vmem>>[vector<16xi32>], vector<16xf32>,
      %max3A_308 = arith.maximumf %max3A_303, %gather3A_307 : vector<16xf32>
      %mul3A_309 = arith.constant 16 : i32
      %mul3A_310 = arith.muli %scan3A_27, %mul3A_309 : i32
      %add3A_311 = arith.constant 512 : i32
      %add3A_312 = arith.addi %add3A_311, %mul3A_310 : i32
      %swap3A_313 = arith.index_cast %add3A_312 : i32 to index
      %swap3A_314 = tpu.vector_load %arg6[%swap3A_313] {strides = array<i32>} : memref<1024xf32, #tpu.memory_space<vmem>>, vector<16xf32>,
      tpu.vector_store %arg6[%swap3A_313], %max3A_308 {strides = array<i32>} : memref<1024xf32, #tpu.memory_space<vmem>>, vector<16xf32>,
      %reduce_max3A_315 = arith.constant true
      %reduce_max3A_316 = vector.broadcast %reduce_max3A_315 : i1 to vector<16xi1>
      %reduce_max3A_317 = tpu.scan <max>, %max3A_308 masked %reduce_max3A_316 : vector<16xf32>, vector<16xi1> -> vector<16xf32>
      %reduce_max3A_318 = vector.extract %reduce_max3A_317[15] : f32 from vector<16xf32>
      %eq3A_319 = vector.broadcast %scan3A_27 : i32 to vector<16xi32>
      %eq3A_320 = arith.cmpi eq, %iota3A, %eq3A_319 : vector<16xi32>
      %broadcast_in_dim3A_321 = vector.broadcast %reduce_max3A_318 : f32 to vector<16xf32>
      %select_n3A_322 = arith.select %eq3A_320, %broadcast_in_dim3A_321, %scan3A_30 : vector<16xi1>, vector<16xf32>
      %mul3A_323 = arith.constant 256 : i32
      %mul3A_324 = arith.muli %scan3A_27, %mul3A_323 : i32
      %add3A_325 = arith.constant 12288 : i32
      %add3A_326 = arith.addi %add3A_325, %mul3A_324 : i32
      %mul3A_327 = arith.constant 16 : i32
      %mul3A_328 = vector.broadcast %mul3A_327 : i32 to vector<16xi32>
      %mul3A_329 = arith.muli %iota3A, %mul3A_328 : vector<16xi32>
      %add3A_330 = vector.broadcast %add3A_326 : i32 to vector<16xi32>
      %add3A_331 = arith.addi %add3A_330, %mul3A_329 : vector<16xi32>
      %gather3A_332 = tpu.vector_load_idx %arg5[%add3A_331] : memref<16384xf32, #tpu.memory_space<vmem>>[vector<16xi32>], vector<16xf32>,
      %add3A_333 = arith.constant 1 : i32
      %add3A_334 = vector.broadcast %add3A_333 : i32 to vector<16xi32>
      %add3A_335 = arith.addi %add3A_331, %add3A_334 : vector<16xi32>
      %gather3A_336 = tpu.vector_load_idx %arg5[%add3A_335] : memref<16384xf32, #tpu.memory_space<vmem>>[vector<16xi32>], vector<16xf32>,
      %max3A_337 = arith.maximumf %gather3A_332, %gather3A_336 : vector<16xf32>
      %add3A_338 = arith.constant 2 : i32
      %add3A_339 = vector.broadcast %add3A_338 : i32 to vector<16xi32>
      %add3A_340 = arith.addi %add3A_331, %add3A_339 : vector<16xi32>
      %gather3A_341 = tpu.vector_load_idx %arg5[%add3A_340] : memref<16384xf32, #tpu.memory_space<vmem>>[vector<16xi32>], vector<16xf32>,
      %max3A_342 = arith.maximumf %max3A_337, %gather3A_341 : vector<16xf32>
      %add3A_343 = arith.constant 3 : i32
      %add3A_344 = vector.broadcast %add3A_343 : i32 to vector<16xi32>
      %add3A_345 = arith.addi %add3A_331, %add3A_344 : vector<16xi32>
      %gather3A_346 = tpu.vector_load_idx %arg5[%add3A_345] : memref<16384xf32, #tpu.memory_space<vmem>>[vector<16xi32>], vector<16xf32>,
      %max3A_347 = arith.maximumf %max3A_342, %gather3A_346 : vector<16xf32>
      %add3A_348 = arith.constant 4 : i32
      %add3A_349 = vector.broadcast %add3A_348 : i32 to vector<16xi32>
      %add3A_350 = arith.addi %add3A_331, %add3A_349 : vector<16xi32>
      %gather3A_351 = tpu.vector_load_idx %arg5[%add3A_350] : memref<16384xf32, #tpu.memory_space<vmem>>[vector<16xi32>], vector<16xf32>,
      %max3A_352 = arith.maximumf %max3A_347, %gather3A_351 : vector<16xf32>
      %add3A_353 = arith.constant 5 : i32
      %add3A_354 = vector.broadcast %add3A_353 : i32 to vector<16xi32>
      %add3A_355 = arith.addi %add3A_331, %add3A_354 : vector<16xi32>
      %gather3A_356 = tpu.vector_load_idx %arg5[%add3A_355] : memref<16384xf32, #tpu.memory_space<vmem>>[vector<16xi32>], vector<16xf32>,
      %max3A_357 = arith.maximumf %max3A_352, %gather3A_356 : vector<16xf32>
      %add3A_358 = arith.constant 6 : i32
      %add3A_359 = vector.broadcast %add3A_358 : i32 to vector<16xi32>
      %add3A_360 = arith.addi %add3A_331, %add3A_359 : vector<16xi32>
      %gather3A_361 = tpu.vector_load_idx %arg5[%add3A_360] : memref<16384xf32, #tpu.memory_space<vmem>>[vector<16xi32>], vector<16xf32>,
      %max3A_362 = arith.maximumf %max3A_357, %gather3A_361 : vector<16xf32>
      %add3A_363 = arith.constant 7 : i32
      %add3A_364 = vector.broadcast %add3A_363 : i32 to vector<16xi32>
      %add3A_365 = arith.addi %add3A_331, %add3A_364 : vector<16xi32>
      %gather3A_366 = tpu.vector_load_idx %arg5[%add3A_365] : memref<16384xf32, #tpu.memory_space<vmem>>[vector<16xi32>], vector<16xf32>,
      %max3A_367 = arith.maximumf %max3A_362, %gather3A_366 : vector<16xf32>
      %add3A_368 = arith.constant 8 : i32
      %add3A_369 = vector.broadcast %add3A_368 : i32 to vector<16xi32>
      %add3A_370 = arith.addi %add3A_331, %add3A_369 : vector<16xi32>
      %gather3A_371 = tpu.vector_load_idx %arg5[%add3A_370] : memref<16384xf32, #tpu.memory_space<vmem>>[vector<16xi32>], vector<16xf32>,
      %max3A_372 = arith.maximumf %max3A_367, %gather3A_371 : vector<16xf32>
      %add3A_373 = arith.constant 9 : i32
      %add3A_374 = vector.broadcast %add3A_373 : i32 to vector<16xi32>
      %add3A_375 = arith.addi %add3A_331, %add3A_374 : vector<16xi32>
      %gather3A_376 = tpu.vector_load_idx %arg5[%add3A_375] : memref<16384xf32, #tpu.memory_space<vmem>>[vector<16xi32>], vector<16xf32>,
      %max3A_377 = arith.maximumf %max3A_372, %gather3A_376 : vector<16xf32>
      %add3A_378 = arith.constant 10 : i32
      %add3A_379 = vector.broadcast %add3A_378 : i32 to vector<16xi32>
      %add3A_380 = arith.addi %add3A_331, %add3A_379 : vector<16xi32>
      %gather3A_381 = tpu.vector_load_idx %arg5[%add3A_380] : memref<16384xf32, #tpu.memory_space<vmem>>[vector<16xi32>], vector<16xf32>,
      %max3A_382 = arith.maximumf %max3A_377, %gather3A_381 : vector<16xf32>
      %add3A_383 = arith.constant 11 : i32
      %add3A_384 = vector.broadcast %add3A_383 : i32 to vector<16xi32>
      %add3A_385 = arith.addi %add3A_331, %add3A_384 : vector<16xi32>
      %gather3A_386 = tpu.vector_load_idx %arg5[%add3A_385] : memref<16384xf32, #tpu.memory_space<vmem>>[vector<16xi32>], vector<16xf32>,
      %max3A_387 = arith.maximumf %max3A_382, %gather3A_386 : vector<16xf32>
      %add3A_388 = arith.constant 12 : i32
      %add3A_389 = vector.broadcast %add3A_388 : i32 to vector<16xi32>
      %add3A_390 = arith.addi %add3A_331, %add3A_389 : vector<16xi32>
      %gather3A_391 = tpu.vector_load_idx %arg5[%add3A_390] : memref<16384xf32, #tpu.memory_space<vmem>>[vector<16xi32>], vector<16xf32>,
      %max3A_392 = arith.maximumf %max3A_387, %gather3A_391 : vector<16xf32>
      %add3A_393 = arith.constant 13 : i32
      %add3A_394 = vector.broadcast %add3A_393 : i32 to vector<16xi32>
      %add3A_395 = arith.addi %add3A_331, %add3A_394 : vector<16xi32>
      %gather3A_396 = tpu.vector_load_idx %arg5[%add3A_395] : memref<16384xf32, #tpu.memory_space<vmem>>[vector<16xi32>], vector<16xf32>,
      %max3A_397 = arith.maximumf %max3A_392, %gather3A_396 : vector<16xf32>
      %add3A_398 = arith.constant 14 : i32
      %add3A_399 = vector.broadcast %add3A_398 : i32 to vector<16xi32>
      %add3A_400 = arith.addi %add3A_331, %add3A_399 : vector<16xi32>
      %gather3A_401 = tpu.vector_load_idx %arg5[%add3A_400] : memref<16384xf32, #tpu.memory_space<vmem>>[vector<16xi32>], vector<16xf32>,
      %max3A_402 = arith.maximumf %max3A_397, %gather3A_401 : vector<16xf32>
      %add3A_403 = arith.constant 15 : i32
      %add3A_404 = vector.broadcast %add3A_403 : i32 to vector<16xi32>
      %add3A_405 = arith.addi %add3A_331, %add3A_404 : vector<16xi32>
      %gather3A_406 = tpu.vector_load_idx %arg5[%add3A_405] : memref<16384xf32, #tpu.memory_space<vmem>>[vector<16xi32>], vector<16xf32>,
      %max3A_407 = arith.maximumf %max3A_402, %gather3A_406 : vector<16xf32>
      %mul3A_408 = arith.constant 16 : i32
      %mul3A_409 = arith.muli %scan3A_27, %mul3A_408 : i32
      %add3A_410 = arith.constant 768 : i32
      %add3A_411 = arith.addi %add3A_410, %mul3A_409 : i32
      %swap3A_412 = arith.index_cast %add3A_411 : i32 to index
      %swap3A_413 = tpu.vector_load %arg6[%swap3A_412] {strides = array<i32>} : memref<1024xf32, #tpu.memory_space<vmem>>, vector<16xf32>,
      tpu.vector_store %arg6[%swap3A_412], %max3A_407 {strides = array<i32>} : memref<1024xf32, #tpu.memory_space<vmem>>, vector<16xf32>,
      %reduce_max3A_414 = arith.constant true
      %reduce_max3A_415 = vector.broadcast %reduce_max3A_414 : i1 to vector<16xi1>
      %reduce_max3A_416 = tpu.scan <max>, %max3A_407 masked %reduce_max3A_415 : vector<16xf32>, vector<16xi1> -> vector<16xf32>
      %reduce_max3A_417 = vector.extract %reduce_max3A_416[15] : f32 from vector<16xf32>
      %eq3A_418 = vector.broadcast %scan3A_27 : i32 to vector<16xi32>
      %eq3A_419 = arith.cmpi eq, %iota3A, %eq3A_418 : vector<16xi32>
      %broadcast_in_dim3A_420 = vector.broadcast %reduce_max3A_417 : f32 to vector<16xf32>
      %select_n3A_421 = arith.select %eq3A_419, %broadcast_in_dim3A_420, %scan3A_31 : vector<16xi1>, vector<16xf32>
      scf.yield %select_n3A, %select_n3A_223, %select_n3A_322, %select_n3A_421 : vector<16xf32>, vector<16xf32>, vector<16xf32>, vector<16xf32>
    }
    %scan3A_16 = arith.constant 16 : i32
    %scan3A_17 = arith.constant 0 : i32
    %scan3A_18 = arith.constant 64 : i32
    %scan3A_19 = arith.addi %scan3A_17, %scan3A_18 : i32
    %scan3A_20 = arith.constant 1 : i32
    %scan3A_21:4 = scf.for %scan3A_27 = %scan3A_17 to %scan3A_19 step %scan3A_20 iter_args(%scan3A_28 = %scan3A_15#0, %scan3A_29 = %scan3A_15#1, %scan3A_30 = %scan3A_15#2, %scan3A_31 = %scan3A_15#3) -> (vector<16xf32>, vector<16xf32>, vector<16xf32>, vector<16xf32>)  : i32 {
      %reduce_max3A = arith.constant true
      %reduce_max3A_32 = vector.broadcast %reduce_max3A : i1 to vector<16xi1>
      %reduce_max3A_33 = tpu.scan <max>, %scan3A_28 masked %reduce_max3A_32 : vector<16xf32>, vector<16xi1> -> vector<16xf32>
      %reduce_max3A_34 = vector.extract %reduce_max3A_33[15] : f32 from vector<16xf32>
      %reduce_max3A_35 = arith.constant true
      %reduce_max3A_36 = vector.broadcast %reduce_max3A_35 : i1 to vector<16xi1>
      %reduce_max3A_37 = tpu.scan <max>, %scan3A_29 masked %reduce_max3A_36 : vector<16xf32>, vector<16xi1> -> vector<16xf32>
      %reduce_max3A_38 = vector.extract %reduce_max3A_37[15] : f32 from vector<16xf32>
      %reduce_max3A_39 = arith.constant true
      %reduce_max3A_40 = vector.broadcast %reduce_max3A_39 : i1 to vector<16xi1>
      %reduce_max3A_41 = tpu.scan <max>, %scan3A_30 masked %reduce_max3A_40 : vector<16xf32>, vector<16xi1> -> vector<16xf32>
      %reduce_max3A_42 = vector.extract %reduce_max3A_41[15] : f32 from vector<16xf32>
      %reduce_max3A_43 = arith.constant true
      %reduce_max3A_44 = vector.broadcast %reduce_max3A_43 : i1 to vector<16xi1>
      %reduce_max3A_45 = tpu.scan <max>, %scan3A_31 masked %reduce_max3A_44 : vector<16xf32>, vector<16xi1> -> vector<16xf32>
      %reduce_max3A_46 = vector.extract %reduce_max3A_45[15] : f32 from vector<16xf32>
      %eq3A = vector.broadcast %reduce_max3A_34 : f32 to vector<16xf32>
      %eq3A_47 = arith.cmpf oeq, %scan3A_28, %eq3A : vector<16xf32>
      %all_reduce_ffs3A = tpu.all_reduce %eq3A_47 {dim = 0 : i64, kind = #tpu.reduction_kind<find_first_set>} : vector<16xi1> -> vector<16xi32>
      %slice3A = vector.extract_strided_slice %all_reduce_ffs3A {offsets = [0], sizes = [1], strides = [1]} : vector<16xi32> to vector<1xi32>
      %squeeze3A = vector.extract %slice3A[0] : i32 from vector<1xi32>
      %eq3A_48 = vector.broadcast %reduce_max3A_38 : f32 to vector<16xf32>
      %eq3A_49 = arith.cmpf oeq, %scan3A_29, %eq3A_48 : vector<16xf32>
      %all_reduce_ffs3A_50 = tpu.all_reduce %eq3A_49 {dim = 0 : i64, kind = #tpu.reduction_kind<find_first_set>} : vector<16xi1> -> vector<16xi32>
      %slice3A_51 = vector.extract_strided_slice %all_reduce_ffs3A_50 {offsets = [0], sizes = [1], strides = [1]} : vector<16xi32> to vector<1xi32>
      %squeeze3A_52 = vector.extract %slice3A_51[0] : i32 from vector<1xi32>
      %eq3A_53 = vector.broadcast %reduce_max3A_42 : f32 to vector<16xf32>
      %eq3A_54 = arith.cmpf oeq, %scan3A_30, %eq3A_53 : vector<16xf32>
      %all_reduce_ffs3A_55 = tpu.all_reduce %eq3A_54 {dim = 0 : i64, kind = #tpu.reduction_kind<find_first_set>} : vector<16xi1> -> vector<16xi32>
      %slice3A_56 = vector.extract_strided_slice %all_reduce_ffs3A_55 {offsets = [0], sizes = [1], strides = [1]} : vector<16xi32> to vector<1xi32>
      %squeeze3A_57 = vector.extract %slice3A_56[0] : i32 from vector<1xi32>
      %eq3A_58 = vector.broadcast %reduce_max3A_46 : f32 to vector<16xf32>
      %eq3A_59 = arith.cmpf oeq, %scan3A_31, %eq3A_58 : vector<16xf32>
      %all_reduce_ffs3A_60 = tpu.all_reduce %eq3A_59 {dim = 0 : i64, kind = #tpu.reduction_kind<find_first_set>} : vector<16xi1> -> vector<16xi32>
      %slice3A_61 = vector.extract_strided_slice %all_reduce_ffs3A_60 {offsets = [0], sizes = [1], strides = [1]} : vector<16xi32> to vector<1xi32>
      %squeeze3A_62 = vector.extract %slice3A_61[0] : i32 from vector<1xi32>
      %mul3A_63 = arith.constant 16 : i32
      %mul3A_64 = arith.muli %squeeze3A, %mul3A_63 : i32
      %add3A_65 = arith.constant 0 : i32
      %add3A_66 = arith.addi %add3A_65, %mul3A_64 : i32
      %get3A = arith.index_cast %add3A_66 : i32 to index
      %get3A_67 = tpu.vector_load %arg6[%get3A] {strides = array<i32>} : memref<1024xf32, #tpu.memory_space<vmem>>, vector<16xf32>,
      %mul3A_68 = arith.constant 16 : i32
      %mul3A_69 = arith.muli %squeeze3A_52, %mul3A_68 : i32
      %add3A_70 = arith.constant 256 : i32
      %add3A_71 = arith.addi %add3A_70, %mul3A_69 : i32
      %get3A_72 = arith.index_cast %add3A_71 : i32 to index
      %get3A_73 = tpu.vector_load %arg6[%get3A_72] {strides = array<i32>} : memref<1024xf32, #tpu.memory_space<vmem>>, vector<16xf32>,
      %mul3A_74 = arith.constant 16 : i32
      %mul3A_75 = arith.muli %squeeze3A_57, %mul3A_74 : i32
      %add3A_76 = arith.constant 512 : i32
      %add3A_77 = arith.addi %add3A_76, %mul3A_75 : i32
      %get3A_78 = arith.index_cast %add3A_77 : i32 to index
      %get3A_79 = tpu.vector_load %arg6[%get3A_78] {strides = array<i32>} : memref<1024xf32, #tpu.memory_space<vmem>>, vector<16xf32>,
      %mul3A_80 = arith.constant 16 : i32
      %mul3A_81 = arith.muli %squeeze3A_62, %mul3A_80 : i32
      %add3A_82 = arith.constant 768 : i32
      %add3A_83 = arith.addi %add3A_82, %mul3A_81 : i32
      %get3A_84 = arith.index_cast %add3A_83 : i32 to index
      %get3A_85 = tpu.vector_load %arg6[%get3A_84] {strides = array<i32>} : memref<1024xf32, #tpu.memory_space<vmem>>, vector<16xf32>,
      %mul3A_86 = arith.constant 16 : i32
      %mul3A_87 = arith.muli %squeeze3A, %mul3A_86 : i32
      %eq3A_88 = vector.broadcast %reduce_max3A_34 : f32 to vector<16xf32>
      %eq3A_89 = arith.cmpf oeq, %get3A_67, %eq3A_88 : vector<16xf32>
      %all_reduce_ffs3A_90 = tpu.all_reduce %eq3A_89 {dim = 0 : i64, kind = #tpu.reduction_kind<find_first_set>} : vector<16xi1> -> vector<16xi32>
      %slice3A_91 = vector.extract_strided_slice %all_reduce_ffs3A_90 {offsets = [0], sizes = [1], strides = [1]} : vector<16xi32> to vector<1xi32>
      %squeeze3A_92 = vector.extract %slice3A_91[0] : i32 from vector<1xi32>
      %add3A_93 = arith.addi %mul3A_87, %squeeze3A_92 : i32
      %mul3A_94 = arith.constant 16 : i32
      %mul3A_95 = arith.muli %squeeze3A_52, %mul3A_94 : i32
      %eq3A_96 = vector.broadcast %reduce_max3A_38 : f32 to vector<16xf32>
      %eq3A_97 = arith.cmpf oeq, %get3A_73, %eq3A_96 : vector<16xf32>
      %all_reduce_ffs3A_98 = tpu.all_reduce %eq3A_97 {dim = 0 : i64, kind = #tpu.reduction_kind<find_first_set>} : vector<16xi1> -> vector<16xi32>
      %slice3A_99 = vector.extract_strided_slice %all_reduce_ffs3A_98 {offsets = [0], sizes = [1], strides = [1]} : vector<16xi32> to vector<1xi32>
      %squeeze3A_100 = vector.extract %slice3A_99[0] : i32 from vector<1xi32>
      %add3A_101 = arith.addi %mul3A_95, %squeeze3A_100 : i32
      %mul3A_102 = arith.constant 16 : i32
      %mul3A_103 = arith.muli %squeeze3A_57, %mul3A_102 : i32
      %eq3A_104 = vector.broadcast %reduce_max3A_42 : f32 to vector<16xf32>
      %eq3A_105 = arith.cmpf oeq, %get3A_79, %eq3A_104 : vector<16xf32>
      %all_reduce_ffs3A_106 = tpu.all_reduce %eq3A_105 {dim = 0 : i64, kind = #tpu.reduction_kind<find_first_set>} : vector<16xi1> -> vector<16xi32>
      %slice3A_107 = vector.extract_strided_slice %all_reduce_ffs3A_106 {offsets = [0], sizes = [1], strides = [1]} : vector<16xi32> to vector<1xi32>
      %squeeze3A_108 = vector.extract %slice3A_107[0] : i32 from vector<1xi32>
      %add3A_109 = arith.addi %mul3A_103, %squeeze3A_108 : i32
      %mul3A_110 = arith.constant 16 : i32
      %mul3A_111 = arith.muli %squeeze3A_62, %mul3A_110 : i32
      %eq3A_112 = vector.broadcast %reduce_max3A_46 : f32 to vector<16xf32>
      %eq3A_113 = arith.cmpf oeq, %get3A_85, %eq3A_112 : vector<16xf32>
      %all_reduce_ffs3A_114 = tpu.all_reduce %eq3A_113 {dim = 0 : i64, kind = #tpu.reduction_kind<find_first_set>} : vector<16xi1> -> vector<16xi32>
      %slice3A_115 = vector.extract_strided_slice %all_reduce_ffs3A_114 {offsets = [0], sizes = [1], strides = [1]} : vector<16xi32> to vector<1xi32>
      %squeeze3A_116 = vector.extract %slice3A_115[0] : i32 from vector<1xi32>
      %add3A_117 = arith.addi %mul3A_111, %squeeze3A_116 : i32
      %mul3A_118 = arith.constant 16 : i32
      %mul3A_119 = arith.muli %add3A_93, %mul3A_118 : i32
      %add3A_120 = arith.constant 0 : i32
      %add3A_121 = arith.addi %add3A_120, %mul3A_119 : i32
      %get3A_122 = arith.index_cast %add3A_121 : i32 to index
      %get3A_123 = tpu.vector_load %arg5[%get3A_122] {strides = array<i32>} : memref<16384xf32, #tpu.memory_space<vmem>>, vector<16xf32>,
      %mul3A_124 = arith.constant 16 : i32
      %mul3A_125 = arith.muli %add3A_101, %mul3A_124 : i32
      %add3A_126 = arith.constant 4096 : i32
      %add3A_127 = arith.addi %add3A_126, %mul3A_125 : i32
      %get3A_128 = arith.index_cast %add3A_127 : i32 to index
      %get3A_129 = tpu.vector_load %arg5[%get3A_128] {strides = array<i32>} : memref<16384xf32, #tpu.memory_space<vmem>>, vector<16xf32>,
      %mul3A_130 = arith.constant 16 : i32
      %mul3A_131 = arith.muli %add3A_109, %mul3A_130 : i32
      %add3A_132 = arith.constant 8192 : i32
      %add3A_133 = arith.addi %add3A_132, %mul3A_131 : i32
      %get3A_134 = arith.index_cast %add3A_133 : i32 to index
      %get3A_135 = tpu.vector_load %arg5[%get3A_134] {strides = array<i32>} : memref<16384xf32, #tpu.memory_space<vmem>>, vector<16xf32>,
      %mul3A_136 = arith.constant 16 : i32
      %mul3A_137 = arith.muli %add3A_117, %mul3A_136 : i32
      %add3A_138 = arith.constant 12288 : i32
      %add3A_139 = arith.addi %add3A_138, %mul3A_137 : i32
      %get3A_140 = arith.index_cast %add3A_139 : i32 to index
      %get3A_141 = tpu.vector_load %arg5[%get3A_140] {strides = array<i32>} : memref<16384xf32, #tpu.memory_space<vmem>>, vector<16xf32>,
      %eq3A_142 = vector.broadcast %reduce_max3A_34 : f32 to vector<16xf32>
      %eq3A_143 = arith.cmpf oeq, %get3A_123, %eq3A_142 : vector<16xf32>
      %all_reduce_ffs3A_144 = tpu.all_reduce %eq3A_143 {dim = 0 : i64, kind = #tpu.reduction_kind<find_first_set>} : vector<16xi1> -> vector<16xi32>
      %slice3A_145 = vector.extract_strided_slice %all_reduce_ffs3A_144 {offsets = [0], sizes = [1], strides = [1]} : vector<16xi32> to vector<1xi32>
      %squeeze3A_146 = vector.extract %slice3A_145[0] : i32 from vector<1xi32>
      %eq3A_147 = vector.broadcast %reduce_max3A_38 : f32 to vector<16xf32>
      %eq3A_148 = arith.cmpf oeq, %get3A_129, %eq3A_147 : vector<16xf32>
      %all_reduce_ffs3A_149 = tpu.all_reduce %eq3A_148 {dim = 0 : i64, kind = #tpu.reduction_kind<find_first_set>} : vector<16xi1> -> vector<16xi32>
      %slice3A_150 = vector.extract_strided_slice %all_reduce_ffs3A_149 {offsets = [0], sizes = [1], strides = [1]} : vector<16xi32> to vector<1xi32>
      %squeeze3A_151 = vector.extract %slice3A_150[0] : i32 from vector<1xi32>
      %eq3A_152 = vector.broadcast %reduce_max3A_42 : f32 to vector<16xf32>
      %eq3A_153 = arith.cmpf oeq, %get3A_135, %eq3A_152 : vector<16xf32>
      %all_reduce_ffs3A_154 = tpu.all_reduce %eq3A_153 {dim = 0 : i64, kind = #tpu.reduction_kind<find_first_set>} : vector<16xi1> -> vector<16xi32>
      %slice3A_155 = vector.extract_strided_slice %all_reduce_ffs3A_154 {offsets = [0], sizes = [1], strides = [1]} : vector<16xi32> to vector<1xi32>
      %squeeze3A_156 = vector.extract %slice3A_155[0] : i32 from vector<1xi32>
      %eq3A_157 = vector.broadcast %reduce_max3A_46 : f32 to vector<16xf32>
      %eq3A_158 = arith.cmpf oeq, %get3A_141, %eq3A_157 : vector<16xf32>
      %all_reduce_ffs3A_159 = tpu.all_reduce %eq3A_158 {dim = 0 : i64, kind = #tpu.reduction_kind<find_first_set>} : vector<16xi1> -> vector<16xi32>
      %slice3A_160 = vector.extract_strided_slice %all_reduce_ffs3A_159 {offsets = [0], sizes = [1], strides = [1]} : vector<16xi32> to vector<1xi32>
      %squeeze3A_161 = vector.extract %slice3A_160[0] : i32 from vector<1xi32>
      %jit3A = arith.constant 16 : i32
      %div3A = arith.divsi %scan3A_27, %jit3A : i32
      %sign3A = arith.constant 0 : i32
      %sign3A_162 = arith.cmpi sgt, %scan3A_27, %sign3A : i32
      %sign3A_163 = arith.extui %sign3A_162 : i1 to i32
      %sign3A_164 = arith.constant 0 : i32
      %sign3A_165 = arith.cmpi slt, %scan3A_27, %sign3A_164 : i32
      %sign3A_166 = arith.extui %sign3A_165 : i1 to i32
      %sign3A_167 = arith.subi %sign3A_163, %sign3A_166 : i32
      %sign3A_168 = arith.constant 0 : i32
      %sign3A_169 = arith.cmpi sgt, %jit3A, %sign3A_168 : i32
      %sign3A_170 = arith.extui %sign3A_169 : i1 to i32
      %sign3A_171 = arith.constant 0 : i32
      %sign3A_172 = arith.cmpi slt, %jit3A, %sign3A_171 : i32
      %sign3A_173 = arith.extui %sign3A_172 : i1 to i32
      %sign3A_174 = arith.subi %sign3A_170, %sign3A_173 : i32
      %ne3A = arith.cmpi ne, %sign3A_167, %sign3A_174 : i32
      %rem3A = arith.remsi %scan3A_27, %jit3A : i32
      %ne3A_175 = arith.constant 0 : i32
      %ne3A_176 = arith.cmpi ne, %rem3A, %ne3A_175 : i32
      %and3A = arith.andi %ne3A, %ne3A_176 : i1
      %sub3A = arith.constant 1 : i32
      %sub3A_177 = arith.subi %div3A, %sub3A : i32
      %select_n3A = arith.select %and3A, %sub3A_177, %div3A : i32
      %jit3A_178 = arith.constant 16 : i32
      %eq3A_179 = arith.constant 0 : i32
      %eq3A_180 = arith.cmpi eq, %jit3A_178, %eq3A_179 : i32
      %jit3A_181 = arith.constant 1 : i32
      %select_n3A_182 = arith.select %eq3A_180, %jit3A_181, %jit3A_178 : i32
      %rem3A_183 = arith.remsi %scan3A_27, %select_n3A_182 : i32
      %ne3A_184 = arith.constant 0 : i32
      %ne3A_185 = arith.cmpi ne, %rem3A_183, %ne3A_184 : i32
      %lt3A = arith.constant 0 : i32
      %lt3A_186 = arith.cmpi slt, %rem3A_183, %lt3A : i32
      %lt3A_187 = arith.constant 0 : i32
      %lt3A_188 = arith.cmpi slt, %select_n3A_182, %lt3A_187 : i32
      %ne3A_189 = arith.xori %lt3A_186, %lt3A_188 : i1
      %and3A_190 = arith.andi %ne3A_189, %ne3A_185 : i1
      %add3A_191 = arith.addi %rem3A_183, %select_n3A_182 : i32
      %select_n3A_192 = arith.select %and3A_190, %add3A_191, %rem3A_183 : i32
      %mul3A_193 = arith.constant 16 : i32
      %mul3A_194 = arith.muli %select_n3A, %mul3A_193 : i32
      %add3A_195 = arith.constant 0 : i32
      %add3A_196 = arith.addi %add3A_195, %mul3A_194 : i32
      %get3A_197 = arith.index_cast %add3A_196 : i32 to index
      %get3A_198 = tpu.vector_load %arg7[%get3A_197] {strides = array<i32>} : memref<256xi32, #tpu.memory_space<vmem>>, vector<16xi32>,
      %eq3A_199 = vector.broadcast %select_n3A_192 : i32 to vector<16xi32>
      %eq3A_200 = arith.cmpi eq, %iota3A, %eq3A_199 : vector<16xi32>
      %mul3A_201 = arith.constant 16 : i32
      %mul3A_202 = arith.muli %add3A_93, %mul3A_201 : i32
      %add3A_203 = arith.addi %mul3A_202, %squeeze3A_146 : i32
      %broadcast_in_dim3A_204 = vector.broadcast %add3A_203 : i32 to vector<16xi32>
      %select_n3A_205 = arith.select %eq3A_200, %broadcast_in_dim3A_204, %get3A_198 : vector<16xi1>, vector<16xi32>
      %swap3A = arith.index_cast %add3A_196 : i32 to index
      %swap3A_206 = tpu.vector_load %arg7[%swap3A] {strides = array<i32>} : memref<256xi32, #tpu.memory_space<vmem>>, vector<16xi32>,
      tpu.vector_store %arg7[%swap3A], %select_n3A_205 {strides = array<i32>} : memref<256xi32, #tpu.memory_space<vmem>>, vector<16xi32>,
      %get3A_207 = arith.index_cast %add3A_196 : i32 to index
      %get3A_208 = tpu.vector_load %arg8[%get3A_207] {strides = array<i32>} : memref<256xf32, #tpu.memory_space<vmem>>, vector<16xf32>,
      %eq3A_209 = vector.broadcast %select_n3A_192 : i32 to vector<16xi32>
      %eq3A_210 = arith.cmpi eq, %iota3A, %eq3A_209 : vector<16xi32>
      %broadcast_in_dim3A_211 = vector.broadcast %reduce_max3A_34 : f32 to vector<16xf32>
      %select_n3A_212 = arith.select %eq3A_210, %broadcast_in_dim3A_211, %get3A_208 : vector<16xi1>, vector<16xf32>
      %swap3A_213 = arith.index_cast %add3A_196 : i32 to index
      %swap3A_214 = tpu.vector_load %arg8[%swap3A_213] {strides = array<i32>} : memref<256xf32, #tpu.memory_space<vmem>>, vector<16xf32>,
      tpu.vector_store %arg8[%swap3A_213], %select_n3A_212 {strides = array<i32>} : memref<256xf32, #tpu.memory_space<vmem>>, vector<16xf32>,
      %mul3A_215 = arith.constant 16 : i32
      %mul3A_216 = arith.muli %select_n3A, %mul3A_215 : i32
      %add3A_217 = arith.constant 64 : i32
      %add3A_218 = arith.addi %add3A_217, %mul3A_216 : i32
      %get3A_219 = arith.index_cast %add3A_218 : i32 to index
      %get3A_220 = tpu.vector_load %arg7[%get3A_219] {strides = array<i32>} : memref<256xi32, #tpu.memory_space<vmem>>, vector<16xi32>,
      %eq3A_221 = vector.broadcast %select_n3A_192 : i32 to vector<16xi32>
      %eq3A_222 = arith.cmpi eq, %iota3A, %eq3A_221 : vector<16xi32>
      %mul3A_223 = arith.constant 16 : i32
      %mul3A_224 = arith.muli %add3A_101, %mul3A_223 : i32
      %add3A_225 = arith.addi %mul3A_224, %squeeze3A_151 : i32
      %broadcast_in_dim3A_226 = vector.broadcast %add3A_225 : i32 to vector<16xi32>
      %select_n3A_227 = arith.select %eq3A_222, %broadcast_in_dim3A_226, %get3A_220 : vector<16xi1>, vector<16xi32>
      %swap3A_228 = arith.index_cast %add3A_218 : i32 to index
      %swap3A_229 = tpu.vector_load %arg7[%swap3A_228] {strides = array<i32>} : memref<256xi32, #tpu.memory_space<vmem>>, vector<16xi32>,
      tpu.vector_store %arg7[%swap3A_228], %select_n3A_227 {strides = array<i32>} : memref<256xi32, #tpu.memory_space<vmem>>, vector<16xi32>,
      %get3A_230 = arith.index_cast %add3A_218 : i32 to index
      %get3A_231 = tpu.vector_load %arg8[%get3A_230] {strides = array<i32>} : memref<256xf32, #tpu.memory_space<vmem>>, vector<16xf32>,
      %eq3A_232 = vector.broadcast %select_n3A_192 : i32 to vector<16xi32>
      %eq3A_233 = arith.cmpi eq, %iota3A, %eq3A_232 : vector<16xi32>
      %broadcast_in_dim3A_234 = vector.broadcast %reduce_max3A_38 : f32 to vector<16xf32>
      %select_n3A_235 = arith.select %eq3A_233, %broadcast_in_dim3A_234, %get3A_231 : vector<16xi1>, vector<16xf32>
      %swap3A_236 = arith.index_cast %add3A_218 : i32 to index
      %swap3A_237 = tpu.vector_load %arg8[%swap3A_236] {strides = array<i32>} : memref<256xf32, #tpu.memory_space<vmem>>, vector<16xf32>,
      tpu.vector_store %arg8[%swap3A_236], %select_n3A_235 {strides = array<i32>} : memref<256xf32, #tpu.memory_space<vmem>>, vector<16xf32>,
      %mul3A_238 = arith.constant 16 : i32
      %mul3A_239 = arith.muli %select_n3A, %mul3A_238 : i32
      %add3A_240 = arith.constant 128 : i32
      %add3A_241 = arith.addi %add3A_240, %mul3A_239 : i32
      %get3A_242 = arith.index_cast %add3A_241 : i32 to index
      %get3A_243 = tpu.vector_load %arg7[%get3A_242] {strides = array<i32>} : memref<256xi32, #tpu.memory_space<vmem>>, vector<16xi32>,
      %eq3A_244 = vector.broadcast %select_n3A_192 : i32 to vector<16xi32>
      %eq3A_245 = arith.cmpi eq, %iota3A, %eq3A_244 : vector<16xi32>
      %mul3A_246 = arith.constant 16 : i32
      %mul3A_247 = arith.muli %add3A_109, %mul3A_246 : i32
      %add3A_248 = arith.addi %mul3A_247, %squeeze3A_156 : i32
      %broadcast_in_dim3A_249 = vector.broadcast %add3A_248 : i32 to vector<16xi32>
      %select_n3A_250 = arith.select %eq3A_245, %broadcast_in_dim3A_249, %get3A_243 : vector<16xi1>, vector<16xi32>
      %swap3A_251 = arith.index_cast %add3A_241 : i32 to index
      %swap3A_252 = tpu.vector_load %arg7[%swap3A_251] {strides = array<i32>} : memref<256xi32, #tpu.memory_space<vmem>>, vector<16xi32>,
      tpu.vector_store %arg7[%swap3A_251], %select_n3A_250 {strides = array<i32>} : memref<256xi32, #tpu.memory_space<vmem>>, vector<16xi32>,
      %get3A_253 = arith.index_cast %add3A_241 : i32 to index
      %get3A_254 = tpu.vector_load %arg8[%get3A_253] {strides = array<i32>} : memref<256xf32, #tpu.memory_space<vmem>>, vector<16xf32>,
      %eq3A_255 = vector.broadcast %select_n3A_192 : i32 to vector<16xi32>
      %eq3A_256 = arith.cmpi eq, %iota3A, %eq3A_255 : vector<16xi32>
      %broadcast_in_dim3A_257 = vector.broadcast %reduce_max3A_42 : f32 to vector<16xf32>
      %select_n3A_258 = arith.select %eq3A_256, %broadcast_in_dim3A_257, %get3A_254 : vector<16xi1>, vector<16xf32>
      %swap3A_259 = arith.index_cast %add3A_241 : i32 to index
      %swap3A_260 = tpu.vector_load %arg8[%swap3A_259] {strides = array<i32>} : memref<256xf32, #tpu.memory_space<vmem>>, vector<16xf32>,
      tpu.vector_store %arg8[%swap3A_259], %select_n3A_258 {strides = array<i32>} : memref<256xf32, #tpu.memory_space<vmem>>, vector<16xf32>,
      %mul3A_261 = arith.constant 16 : i32
      %mul3A_262 = arith.muli %select_n3A, %mul3A_261 : i32
      %add3A_263 = arith.constant 192 : i32
      %add3A_264 = arith.addi %add3A_263, %mul3A_262 : i32
      %get3A_265 = arith.index_cast %add3A_264 : i32 to index
      %get3A_266 = tpu.vector_load %arg7[%get3A_265] {strides = array<i32>} : memref<256xi32, #tpu.memory_space<vmem>>, vector<16xi32>,
      %eq3A_267 = vector.broadcast %select_n3A_192 : i32 to vector<16xi32>
      %eq3A_268 = arith.cmpi eq, %iota3A, %eq3A_267 : vector<16xi32>
      %mul3A_269 = arith.constant 16 : i32
      %mul3A_270 = arith.muli %add3A_117, %mul3A_269 : i32
      %add3A_271 = arith.addi %mul3A_270, %squeeze3A_161 : i32
      %broadcast_in_dim3A_272 = vector.broadcast %add3A_271 : i32 to vector<16xi32>
      %select_n3A_273 = arith.select %eq3A_268, %broadcast_in_dim3A_272, %get3A_266 : vector<16xi1>, vector<16xi32>
      %swap3A_274 = arith.index_cast %add3A_264 : i32 to index
      %swap3A_275 = tpu.vector_load %arg7[%swap3A_274] {strides = array<i32>} : memref<256xi32, #tpu.memory_space<vmem>>, vector<16xi32>,
      tpu.vector_store %arg7[%swap3A_274], %select_n3A_273 {strides = array<i32>} : memref<256xi32, #tpu.memory_space<vmem>>, vector<16xi32>,
      %get3A_276 = arith.index_cast %add3A_264 : i32 to index
      %get3A_277 = tpu.vector_load %arg8[%get3A_276] {strides = array<i32>} : memref<256xf32, #tpu.memory_space<vmem>>, vector<16xf32>,
      %eq3A_278 = vector.broadcast %select_n3A_192 : i32 to vector<16xi32>
      %eq3A_279 = arith.cmpi eq, %iota3A, %eq3A_278 : vector<16xi32>
      %broadcast_in_dim3A_280 = vector.broadcast %reduce_max3A_46 : f32 to vector<16xf32>
      %select_n3A_281 = arith.select %eq3A_279, %broadcast_in_dim3A_280, %get3A_277 : vector<16xi1>, vector<16xf32>
      %swap3A_282 = arith.index_cast %add3A_264 : i32 to index
      %swap3A_283 = tpu.vector_load %arg8[%swap3A_282] {strides = array<i32>} : memref<256xf32, #tpu.memory_space<vmem>>, vector<16xf32>,
      tpu.vector_store %arg8[%swap3A_282], %select_n3A_281 {strides = array<i32>} : memref<256xf32, #tpu.memory_space<vmem>>, vector<16xf32>,
      %eq3A_284 = vector.broadcast %squeeze3A_146 : i32 to vector<16xi32>
      %eq3A_285 = arith.cmpi eq, %iota3A, %eq3A_284 : vector<16xi32>
      %jit3A_286 = arith.constant 0xFF800000 : f32
      %broadcast_in_dim3A_287 = vector.broadcast %jit3A_286 : f32 to vector<16xf32>
      %select_n3A_288 = arith.select %eq3A_285, %broadcast_in_dim3A_287, %get3A_123 : vector<16xi1>, vector<16xf32>
      %eq3A_289 = vector.broadcast %squeeze3A_151 : i32 to vector<16xi32>
      %eq3A_290 = arith.cmpi eq, %iota3A, %eq3A_289 : vector<16xi32>
      %jit3A_291 = arith.constant 0xFF800000 : f32
      %broadcast_in_dim3A_292 = vector.broadcast %jit3A_291 : f32 to vector<16xf32>
      %select_n3A_293 = arith.select %eq3A_290, %broadcast_in_dim3A_292, %get3A_129 : vector<16xi1>, vector<16xf32>
      %eq3A_294 = vector.broadcast %squeeze3A_156 : i32 to vector<16xi32>
      %eq3A_295 = arith.cmpi eq, %iota3A, %eq3A_294 : vector<16xi32>
      %jit3A_296 = arith.constant 0xFF800000 : f32
      %broadcast_in_dim3A_297 = vector.broadcast %jit3A_296 : f32 to vector<16xf32>
      %select_n3A_298 = arith.select %eq3A_295, %broadcast_in_dim3A_297, %get3A_135 : vector<16xi1>, vector<16xf32>
      %eq3A_299 = vector.broadcast %squeeze3A_161 : i32 to vector<16xi32>
      %eq3A_300 = arith.cmpi eq, %iota3A, %eq3A_299 : vector<16xi32>
      %jit3A_301 = arith.constant 0xFF800000 : f32
      %broadcast_in_dim3A_302 = vector.broadcast %jit3A_301 : f32 to vector<16xf32>
      %select_n3A_303 = arith.select %eq3A_300, %broadcast_in_dim3A_302, %get3A_141 : vector<16xi1>, vector<16xf32>
      %mul3A_304 = arith.constant 16 : i32
      %mul3A_305 = arith.muli %add3A_93, %mul3A_304 : i32
      %add3A_306 = arith.constant 0 : i32
      %add3A_307 = arith.addi %add3A_306, %mul3A_305 : i32
      %swap3A_308 = arith.index_cast %add3A_307 : i32 to index
      %swap3A_309 = tpu.vector_load %arg5[%swap3A_308] {strides = array<i32>} : memref<16384xf32, #tpu.memory_space<vmem>>, vector<16xf32>,
      tpu.vector_store %arg5[%swap3A_308], %select_n3A_288 {strides = array<i32>} : memref<16384xf32, #tpu.memory_space<vmem>>, vector<16xf32>,
      %mul3A_310 = arith.constant 16 : i32
      %mul3A_311 = arith.muli %add3A_101, %mul3A_310 : i32
      %add3A_312 = arith.constant 4096 : i32
      %add3A_313 = arith.addi %add3A_312, %mul3A_311 : i32
      %swap3A_314 = arith.index_cast %add3A_313 : i32 to index
      %swap3A_315 = tpu.vector_load %arg5[%swap3A_314] {strides = array<i32>} : memref<16384xf32, #tpu.memory_space<vmem>>, vector<16xf32>,
      tpu.vector_store %arg5[%swap3A_314], %select_n3A_293 {strides = array<i32>} : memref<16384xf32, #tpu.memory_space<vmem>>, vector<16xf32>,
      %mul3A_316 = arith.constant 16 : i32
      %mul3A_317 = arith.muli %add3A_109, %mul3A_316 : i32
      %add3A_318 = arith.constant 8192 : i32
      %add3A_319 = arith.addi %add3A_318, %mul3A_317 : i32
      %swap3A_320 = arith.index_cast %add3A_319 : i32 to index
      %swap3A_321 = tpu.vector_load %arg5[%swap3A_320] {strides = array<i32>} : memref<16384xf32, #tpu.memory_space<vmem>>, vector<16xf32>,
      tpu.vector_store %arg5[%swap3A_320], %select_n3A_298 {strides = array<i32>} : memref<16384xf32, #tpu.memory_space<vmem>>, vector<16xf32>,
      %mul3A_322 = arith.constant 16 : i32
      %mul3A_323 = arith.muli %add3A_117, %mul3A_322 : i32
      %add3A_324 = arith.constant 12288 : i32
      %add3A_325 = arith.addi %add3A_324, %mul3A_323 : i32
      %swap3A_326 = arith.index_cast %add3A_325 : i32 to index
      %swap3A_327 = tpu.vector_load %arg5[%swap3A_326] {strides = array<i32>} : memref<16384xf32, #tpu.memory_space<vmem>>, vector<16xf32>,
      tpu.vector_store %arg5[%swap3A_326], %select_n3A_303 {strides = array<i32>} : memref<16384xf32, #tpu.memory_space<vmem>>, vector<16xf32>,
      %reduce_max3A_328 = arith.constant true
      %reduce_max3A_329 = vector.broadcast %reduce_max3A_328 : i1 to vector<16xi1>
      %reduce_max3A_330 = tpu.scan <max>, %select_n3A_288 masked %reduce_max3A_329 : vector<16xf32>, vector<16xi1> -> vector<16xf32>
      %reduce_max3A_331 = vector.extract %reduce_max3A_330[15] : f32 from vector<16xf32>
      %reduce_max3A_332 = arith.constant true
      %reduce_max3A_333 = vector.broadcast %reduce_max3A_332 : i1 to vector<16xi1>
      %reduce_max3A_334 = tpu.scan <max>, %select_n3A_293 masked %reduce_max3A_333 : vector<16xf32>, vector<16xi1> -> vector<16xf32>
      %reduce_max3A_335 = vector.extract %reduce_max3A_334[15] : f32 from vector<16xf32>
      %reduce_max3A_336 = arith.constant true
      %reduce_max3A_337 = vector.broadcast %reduce_max3A_336 : i1 to vector<16xi1>
      %reduce_max3A_338 = tpu.scan <max>, %select_n3A_298 masked %reduce_max3A_337 : vector<16xf32>, vector<16xi1> -> vector<16xf32>
      %reduce_max3A_339 = vector.extract %reduce_max3A_338[15] : f32 from vector<16xf32>
      %reduce_max3A_340 = arith.constant true
      %reduce_max3A_341 = vector.broadcast %reduce_max3A_340 : i1 to vector<16xi1>
      %reduce_max3A_342 = tpu.scan <max>, %select_n3A_303 masked %reduce_max3A_341 : vector<16xf32>, vector<16xi1> -> vector<16xf32>
      %reduce_max3A_343 = vector.extract %reduce_max3A_342[15] : f32 from vector<16xf32>
      %mul3A_344 = arith.constant 16 : i32
      %mul3A_345 = arith.muli %squeeze3A, %mul3A_344 : i32
      %sub3A_346 = arith.subi %add3A_93, %mul3A_345 : i32
      %eq3A_347 = vector.broadcast %sub3A_346 : i32 to vector<16xi32>
      %eq3A_348 = arith.cmpi eq, %iota3A, %eq3A_347 : vector<16xi32>
      %mul3A_349 = arith.constant 16 : i32
      %mul3A_350 = arith.muli %squeeze3A, %mul3A_349 : i32
      %add3A_351 = arith.constant 0 : i32
      %add3A_352 = arith.addi %add3A_351, %mul3A_350 : i32
      %get3A_353 = arith.index_cast %add3A_352 : i32 to index
      %get3A_354 = tpu.vector_load %arg6[%get3A_353] {strides = array<i32>} : memref<1024xf32, #tpu.memory_space<vmem>>, vector<16xf32>,
      %broadcast_in_dim3A_355 = vector.broadcast %reduce_max3A_331 : f32 to vector<16xf32>
      %select_n3A_356 = arith.select %eq3A_348, %broadcast_in_dim3A_355, %get3A_354 : vector<16xi1>, vector<16xf32>
      %mul3A_357 = arith.constant 16 : i32
      %mul3A_358 = arith.muli %squeeze3A_52, %mul3A_357 : i32
      %sub3A_359 = arith.subi %add3A_101, %mul3A_358 : i32
      %eq3A_360 = vector.broadcast %sub3A_359 : i32 to vector<16xi32>
      %eq3A_361 = arith.cmpi eq, %iota3A, %eq3A_360 : vector<16xi32>
      %mul3A_362 = arith.constant 16 : i32
      %mul3A_363 = arith.muli %squeeze3A_52, %mul3A_362 : i32
      %add3A_364 = arith.constant 256 : i32
      %add3A_365 = arith.addi %add3A_364, %mul3A_363 : i32
      %get3A_366 = arith.index_cast %add3A_365 : i32 to index
      %get3A_367 = tpu.vector_load %arg6[%get3A_366] {strides = array<i32>} : memref<1024xf32, #tpu.memory_space<vmem>>, vector<16xf32>,
      %broadcast_in_dim3A_368 = vector.broadcast %reduce_max3A_335 : f32 to vector<16xf32>
      %select_n3A_369 = arith.select %eq3A_361, %broadcast_in_dim3A_368, %get3A_367 : vector<16xi1>, vector<16xf32>
      %mul3A_370 = arith.constant 16 : i32
      %mul3A_371 = arith.muli %squeeze3A_57, %mul3A_370 : i32
      %sub3A_372 = arith.subi %add3A_109, %mul3A_371 : i32
      %eq3A_373 = vector.broadcast %sub3A_372 : i32 to vector<16xi32>
      %eq3A_374 = arith.cmpi eq, %iota3A, %eq3A_373 : vector<16xi32>
      %mul3A_375 = arith.constant 16 : i32
      %mul3A_376 = arith.muli %squeeze3A_57, %mul3A_375 : i32
      %add3A_377 = arith.constant 512 : i32
      %add3A_378 = arith.addi %add3A_377, %mul3A_376 : i32
      %get3A_379 = arith.index_cast %add3A_378 : i32 to index
      %get3A_380 = tpu.vector_load %arg6[%get3A_379] {strides = array<i32>} : memref<1024xf32, #tpu.memory_space<vmem>>, vector<16xf32>,
      %broadcast_in_dim3A_381 = vector.broadcast %reduce_max3A_339 : f32 to vector<16xf32>
      %select_n3A_382 = arith.select %eq3A_374, %broadcast_in_dim3A_381, %get3A_380 : vector<16xi1>, vector<16xf32>
      %mul3A_383 = arith.constant 16 : i32
      %mul3A_384 = arith.muli %squeeze3A_62, %mul3A_383 : i32
      %sub3A_385 = arith.subi %add3A_117, %mul3A_384 : i32
      %eq3A_386 = vector.broadcast %sub3A_385 : i32 to vector<16xi32>
      %eq3A_387 = arith.cmpi eq, %iota3A, %eq3A_386 : vector<16xi32>
      %mul3A_388 = arith.constant 16 : i32
      %mul3A_389 = arith.muli %squeeze3A_62, %mul3A_388 : i32
      %add3A_390 = arith.constant 768 : i32
      %add3A_391 = arith.addi %add3A_390, %mul3A_389 : i32
      %get3A_392 = arith.index_cast %add3A_391 : i32 to index
      %get3A_393 = tpu.vector_load %arg6[%get3A_392] {strides = array<i32>} : memref<1024xf32, #tpu.memory_space<vmem>>, vector<16xf32>,
      %broadcast_in_dim3A_394 = vector.broadcast %reduce_max3A_343 : f32 to vector<16xf32>
      %select_n3A_395 = arith.select %eq3A_387, %broadcast_in_dim3A_394, %get3A_393 : vector<16xi1>, vector<16xf32>
      %mul3A_396 = arith.constant 16 : i32
      %mul3A_397 = arith.muli %squeeze3A, %mul3A_396 : i32
      %add3A_398 = arith.constant 0 : i32
      %add3A_399 = arith.addi %add3A_398, %mul3A_397 : i32
      %swap3A_400 = arith.index_cast %add3A_399 : i32 to index
      %swap3A_401 = tpu.vector_load %arg6[%swap3A_400] {strides = array<i32>} : memref<1024xf32, #tpu.memory_space<vmem>>, vector<16xf32>,
      tpu.vector_store %arg6[%swap3A_400], %select_n3A_356 {strides = array<i32>} : memref<1024xf32, #tpu.memory_space<vmem>>, vector<16xf32>,
      %mul3A_402 = arith.constant 16 : i32
      %mul3A_403 = arith.muli %squeeze3A_52, %mul3A_402 : i32
      %add3A_404 = arith.constant 256 : i32
      %add3A_405 = arith.addi %add3A_404, %mul3A_403 : i32
      %swap3A_406 = arith.index_cast %add3A_405 : i32 to index
      %swap3A_407 = tpu.vector_load %arg6[%swap3A_406] {strides = array<i32>} : memref<1024xf32, #tpu.memory_space<vmem>>, vector<16xf32>,
      tpu.vector_store %arg6[%swap3A_406], %select_n3A_369 {strides = array<i32>} : memref<1024xf32, #tpu.memory_space<vmem>>, vector<16xf32>,
      %mul3A_408 = arith.constant 16 : i32
      %mul3A_409 = arith.muli %squeeze3A_57, %mul3A_408 : i32
      %add3A_410 = arith.constant 512 : i32
      %add3A_411 = arith.addi %add3A_410, %mul3A_409 : i32
      %swap3A_412 = arith.index_cast %add3A_411 : i32 to index
      %swap3A_413 = tpu.vector_load %arg6[%swap3A_412] {strides = array<i32>} : memref<1024xf32, #tpu.memory_space<vmem>>, vector<16xf32>,
      tpu.vector_store %arg6[%swap3A_412], %select_n3A_382 {strides = array<i32>} : memref<1024xf32, #tpu.memory_space<vmem>>, vector<16xf32>,
      %mul3A_414 = arith.constant 16 : i32
      %mul3A_415 = arith.muli %squeeze3A_62, %mul3A_414 : i32
      %add3A_416 = arith.constant 768 : i32
      %add3A_417 = arith.addi %add3A_416, %mul3A_415 : i32
      %swap3A_418 = arith.index_cast %add3A_417 : i32 to index
      %swap3A_419 = tpu.vector_load %arg6[%swap3A_418] {strides = array<i32>} : memref<1024xf32, #tpu.memory_space<vmem>>, vector<16xf32>,
      tpu.vector_store %arg6[%swap3A_418], %select_n3A_395 {strides = array<i32>} : memref<1024xf32, #tpu.memory_space<vmem>>, vector<16xf32>,
      %reduce_max3A_420 = arith.constant true
      %reduce_max3A_421 = vector.broadcast %reduce_max3A_420 : i1 to vector<16xi1>
      %reduce_max3A_422 = tpu.scan <max>, %select_n3A_356 masked %reduce_max3A_421 : vector<16xf32>, vector<16xi1> -> vector<16xf32>
      %reduce_max3A_423 = vector.extract %reduce_max3A_422[15] : f32 from vector<16xf32>
      %reduce_max3A_424 = arith.constant true
      %reduce_max3A_425 = vector.broadcast %reduce_max3A_424 : i1 to vector<16xi1>
      %reduce_max3A_426 = tpu.scan <max>, %select_n3A_369 masked %reduce_max3A_425 : vector<16xf32>, vector<16xi1> -> vector<16xf32>
      %reduce_max3A_427 = vector.extract %reduce_max3A_426[15] : f32 from vector<16xf32>
      %reduce_max3A_428 = arith.constant true
      %reduce_max3A_429 = vector.broadcast %reduce_max3A_428 : i1 to vector<16xi1>
      %reduce_max3A_430 = tpu.scan <max>, %select_n3A_382 masked %reduce_max3A_429 : vector<16xf32>, vector<16xi1> -> vector<16xf32>
      %reduce_max3A_431 = vector.extract %reduce_max3A_430[15] : f32 from vector<16xf32>
      %reduce_max3A_432 = arith.constant true
      %reduce_max3A_433 = vector.broadcast %reduce_max3A_432 : i1 to vector<16xi1>
      %reduce_max3A_434 = tpu.scan <max>, %select_n3A_395 masked %reduce_max3A_433 : vector<16xf32>, vector<16xi1> -> vector<16xf32>
      %reduce_max3A_435 = vector.extract %reduce_max3A_434[15] : f32 from vector<16xf32>
      %eq3A_436 = vector.broadcast %squeeze3A : i32 to vector<16xi32>
      %eq3A_437 = arith.cmpi eq, %iota3A, %eq3A_436 : vector<16xi32>
      %broadcast_in_dim3A_438 = vector.broadcast %reduce_max3A_423 : f32 to vector<16xf32>
      %select_n3A_439 = arith.select %eq3A_437, %broadcast_in_dim3A_438, %scan3A_28 : vector<16xi1>, vector<16xf32>
      %eq3A_440 = vector.broadcast %squeeze3A_52 : i32 to vector<16xi32>
      %eq3A_441 = arith.cmpi eq, %iota3A, %eq3A_440 : vector<16xi32>
      %broadcast_in_dim3A_442 = vector.broadcast %reduce_max3A_427 : f32 to vector<16xf32>
      %select_n3A_443 = arith.select %eq3A_441, %broadcast_in_dim3A_442, %scan3A_29 : vector<16xi1>, vector<16xf32>
      %eq3A_444 = vector.broadcast %squeeze3A_57 : i32 to vector<16xi32>
      %eq3A_445 = arith.cmpi eq, %iota3A, %eq3A_444 : vector<16xi32>
      %broadcast_in_dim3A_446 = vector.broadcast %reduce_max3A_431 : f32 to vector<16xf32>
      %select_n3A_447 = arith.select %eq3A_445, %broadcast_in_dim3A_446, %scan3A_30 : vector<16xi1>, vector<16xf32>
      %eq3A_448 = vector.broadcast %squeeze3A_62 : i32 to vector<16xi32>
      %eq3A_449 = arith.cmpi eq, %iota3A, %eq3A_448 : vector<16xi32>
      %broadcast_in_dim3A_450 = vector.broadcast %reduce_max3A_435 : f32 to vector<16xf32>
      %select_n3A_451 = arith.select %eq3A_449, %broadcast_in_dim3A_450, %scan3A_31 : vector<16xi1>, vector<16xf32>
      scf.yield %select_n3A_439, %select_n3A_443, %select_n3A_447, %select_n3A_451 : vector<16xf32>, vector<16xf32>, vector<16xf32>, vector<16xf32>
    }
    %scan3A_22 = arith.constant 64 : i32
    %mul3A_23 = arith.constant 64 : i32
    %mul3A_24 = arith.muli %mul3A_2, %mul3A_23 : i32
    "tpu.region"() ({
      %run_scoped3A = tpu.sem_alloc : memref<!tpu.dma_semaphore, #tpu.memory_space<semaphore_mem>>
      %dma_start3A = tpu.memref_slice %arg3[%mul3A_24] : memref<8192xi32, #tpu.memory_space<hbm>> -> memref<256xi32, #tpu.memory_space<hbm>>
      %dma_start3A_27 = tpu.memref_slice %arg3[%mul3A_24] : memref<8192xi32, #tpu.memory_space<hbm>> -> memref<256xi32, #tpu.memory_space<hbm>>
      tpu.enqueue_dma source(%arg7 : memref<256xi32, #tpu.memory_space<vmem>>) target(%dma_start3A_27 : memref<256xi32, #tpu.memory_space<hbm>>) target_semaphore(%run_scoped3A : memref<!tpu.dma_semaphore, #tpu.memory_space<semaphore_mem>>)
      %dma_wait3A = tpu.memref_slice %arg3[%mul3A_24] : memref<8192xi32, #tpu.memory_space<hbm>> -> memref<256xi32, #tpu.memory_space<hbm>>
      %dma_wait3A_28 = tpu.memref_slice %arg3[%mul3A_24] : memref<8192xi32, #tpu.memory_space<hbm>> -> memref<256xi32, #tpu.memory_space<hbm>>
      tpu.wait_dma2 semaphore(%run_scoped3A : memref<!tpu.dma_semaphore, #tpu.memory_space<semaphore_mem>>) src(%arg7 : memref<256xi32, #tpu.memory_space<vmem>>) dst(%dma_wait3A_28 : memref<256xi32, #tpu.memory_space<hbm>>)
      tpu.yield
    }) : () -> ()
    %mul3A_25 = arith.constant 64 : i32
    %mul3A_26 = arith.muli %mul3A_2, %mul3A_25 : i32
    "tpu.region"() ({
      %run_scoped3A = tpu.sem_alloc : memref<!tpu.dma_semaphore, #tpu.memory_space<semaphore_mem>>
      %dma_start3A = tpu.memref_slice %arg4[%mul3A_26] : memref<8192xf32, #tpu.memory_space<hbm>> -> memref<256xf32, #tpu.memory_space<hbm>>
      %dma_start3A_27 = tpu.memref_slice %arg4[%mul3A_26] : memref<8192xf32, #tpu.memory_space<hbm>> -> memref<256xf32, #tpu.memory_space<hbm>>
      tpu.enqueue_dma source(%arg8 : memref<256xf32, #tpu.memory_space<vmem>>) target(%dma_start3A_27 : memref<256xf32, #tpu.memory_space<hbm>>) target_semaphore(%run_scoped3A : memref<!tpu.dma_semaphore, #tpu.memory_space<semaphore_mem>>)
      %dma_wait3A = tpu.memref_slice %arg4[%mul3A_26] : memref<8192xf32, #tpu.memory_space<hbm>> -> memref<256xf32, #tpu.memory_space<hbm>>
      %dma_wait3A_28 = tpu.memref_slice %arg4[%mul3A_26] : memref<8192xf32, #tpu.memory_space<hbm>> -> memref<256xf32, #tpu.memory_space<hbm>>
      tpu.wait_dma2 semaphore(%run_scoped3A : memref<!tpu.dma_semaphore, #tpu.memory_space<semaphore_mem>>) src(%arg8 : memref<256xf32, #tpu.memory_space<vmem>>) dst(%dma_wait3A_28 : memref<256xf32, #tpu.memory_space<hbm>>)
      tpu.yield
    }) : () -> ()
    return
  }
}

module attributes {stable_mosaic.version = 14 : i64} {
  func.func @_matmul_body(%arg0: i32, %arg1: i32, %arg2: memref<1x1024x2048xf32, #tpu.memory_space<vmem>>, %arg3: memref<32x2048xf32, #tpu.memory_space<vmem>>, %arg4: memref<1x32x1024xf32, #tpu.memory_space<vmem>>) attributes {dimension_semantics = [#tpu.dimension_semantics<arbitrary>, #tpu.dimension_semantics<arbitrary>], iteration_bounds = array<i64: 4, 4>, scalar_prefetch = 0 : i64, scratch_operands = 0 : i64, tpu.core_type = #tpu.core_type<tc>, window_params = [{transform_indices = @transform_0, window_bounds = array<i64: 1, 1024, 2048>}, {pipeline_mode = #tpu.pipeline_mode<synchronous>, transform_indices = @transform_1, window_bounds = array<i64: 32, 2048>}, {transform_indices = @transform_2, window_bounds = array<i64: 1, 32, 1024>}]} {
    %get3A = arith.constant 0 : index
    %get3A_0 = arith.constant 0 : index
    %get3A_1 = vector.load %arg3[%get3A, %get3A_0] : memref<32x2048xf32, #tpu.memory_space<vmem>>, vector<32x2048xf32>
    %get3A_2 = arith.constant 0 : index
    %get3A_3 = arith.constant 0 : index
    %get3A_4 = arith.constant 0 : index
    %get3A_5 = vector.load %arg2[%get3A_2, %get3A_3, %get3A_4] : memref<1x1024x2048xf32, #tpu.memory_space<vmem>>, vector<1x1024x2048xf32>
    %get3A_6 = vector.shape_cast %get3A_5 : vector<1x1024x2048xf32> to vector<1024x2048xf32>
    %dot_general3A = arith.constant dense<0.000000e+00> : vector<32x1024xf32>
    %dot_general3A_7 = tpu.matmul %get3A_1, %get3A_6, %dot_general3A {dimension_numbers = #tpu.dot_dimension_numbers<[1], [1], [0], [0], [0, 0, 1, 0], [], []>, transpose_lhs_hint = false} : vector<32x2048xf32>, vector<1024x2048xf32>, vector<32x1024xf32> -> vector<32x1024xf32>
    %swap3A = arith.constant 0 : index
    %swap3A_8 = arith.constant 0 : index
    %swap3A_9 = arith.constant 0 : index
    %swap3A_10 = vector.load %arg4[%swap3A, %swap3A_8, %swap3A_9] : memref<1x32x1024xf32, #tpu.memory_space<vmem>>, vector<1x32x1024xf32>
    %swap3A_11 = vector.shape_cast %swap3A_10 : vector<1x32x1024xf32> to vector<32x1024xf32>
    %swap3A_12 = vector.shape_cast %dot_general3A_7 : vector<32x1024xf32> to vector<1x32x1024xf32>
    tpu.vector_store %arg4[%swap3A, %swap3A_8, %swap3A_9], %swap3A_12 {strides = array<i32>} : memref<1x32x1024xf32, #tpu.memory_space<vmem>>, vector<1x32x1024xf32>,
    return
  }
  func.func @transform_0(%arg0: i32, %arg1: i32) -> (i32, i32, i32) {
    %c0_i32 = arith.constant 0 : i32
    %c0_i32_0 = arith.constant 0 : i32
    return %arg0, %arg1, %c0_i32 : i32, i32, i32
  }
  func.func @transform_1(%arg0: i32, %arg1: i32) -> (i32, i32) {
    %c0_i32 = arith.constant 0 : i32
    %c0_i32_0 = arith.constant 0 : i32
    %c0_i32_1 = arith.constant 0 : i32
    return %c0_i32, %c0_i32_0 : i32, i32
  }
  func.func @transform_2(%arg0: i32, %arg1: i32) -> (i32, i32, i32) {
    %c0_i32 = arith.constant 0 : i32
    %c0_i32_0 = arith.constant 0 : i32
    return %arg0, %c0_i32, %arg1 : i32, i32, i32
  }
}

</mosaic_0001>

<sc_bundles>
// kernel: kernel.4.cloned.1.call-start
scs
__scs_entry_jumppad:
0x0: {  	(pc) =	sbr.rel $0x88, $3  }
0x1: {  	(tag) =	ssettag $0x0;
	lr =	simm.s32 $0x1  }
0x2: {  	[smem:$0x3F9F] =	sst lr;
	_ =	strace $0xD0000000  }
0x3: {  	_ = 	snop  }
0x4: {  	_ = 	snop  }
0x5: {  	_ = 	snop  }
0x6: {  	_ = 	snop  }
0x7: {  	_ = 	snop  }
__scs_overlays_trampoline_lowered:
0x8: {  	[smem:$0x3FAE] =	sst s0  }
0x9: {  	[smem:$0x3FAF] =	sst s1  }
0xa: {  	[smem:$0x3FB0] =	sst s2  }
0xb: {  	[smem:$0x3FB1] =	sst s3  }
0xc: {  	[smem:$0x3FB2] =	sst s4  }
0xd: {  	[smem:$0x3FB3] =	sst s5  }
0xe: {  	[smem:$0x3FB4] =	sst s6  }
0xf: {  	[smem:$0x3FB5] =	sst s7  }
0x10: {  	[smem:$0x3FB6] =	sst s8  }
0x11: {  	[smem:$0x3FB7] =	sst s9;
	s0 =	simm.s32 @!p0 $0x0  }
0x12: {  	s1 =	sld [smem:$0x3F9D];
	s0 =	simm.s32 @p0 $0x1  }
0x13: {  	[smem:$0x3FB8] =	sst s0;
	s0 =	simm.s32 @!p1 $0x0  }
0x14: {  	s2 =	sld [smem:$0x3F9C];
	s0 =	simm.s32 @p1 $0x1  }
0x15: {  	[smem:$0x3FB9] =	sst s0;
	s0 =	simm.s32 @!p2 $0x0  }
0x16: {  	s3 =	sld [smem:$0x3FDB];
	s0 =	simm.s32 @p2 $0x1  }
0x17: {  	s4 =	simm.s32 $0x1BF5;
	[smem:$0x3FBB] =	sst s0  }
0x18: {  	s0 =	sld [smem:$0x3F9E];
	_ =	swait.ge [sflag:s4], $0x0  }
0x19: {  	s7 =	sld [smem:$0x3F9F]  }
0x1a: {  	s8 =	sadd.s32 $0xFFFFE003, lr  }
0x1b: {  	s9 =	sadd.s32 $0xFFFFFEF7, lr;
	s5 =	simm.s32 $0xFFFFFFFF;
	p2 =	slt.u32 s8, $0xFFFFF086  }
0x1c: {  	p1 =	slt.u32 s9, $0xF7A;
	s5 =	simm.s32 @!p2 $0x0  }
0x1d: {  	s5 =	simm.s32 @p1 $0x1;
	p0 =	seq.s32 s7, s2  }
0x1e: {  	s7 =	smul.u32 @!p0 $0xF7A, s2;
	p2 =	seq.s32 @!p0 s5, $0x0  }
0x1f: {  	s9 =	smul.u32 $0xF7A, s1;
	s8 =	simm.s32 @!p0 $0x1BF5;
	p2 =	por !p2, p0  }
0x20: {  	[sflag:s8] =	ssyncset.s32 @!p0 $0xFFFFF086;
	s6 =	sadd.s32 @!p0 s3, s7;
	s7 =	simm.s32 @!p0 $0x108  }
0x21: {  	s3 =	sadd.s32 s3, s9;
	s6 =	sadd.s32 @!p0 $0x88, s6;
	s7 =	simm.s32 @p2 $0x1082  }
0x22: {  	[simem:s7], [sflag:s8] =	dma.local @!p0 [hbm:s6], $0xF7A  }
0x23: {  	s9 =	sor.u32 $0xD0000000, s2;
	s6 =	simm.s32 $0x108;
	_ =	swait.ge @!p0 [sflag:s8], $0x0  }
0x24: {  	s3 =	sadd.s32 $0x88, s3;
	s6 =	simm.s32 @!p1 $0x1082;
	[sflag:s4] =	ssyncset.s32 $0xFFFFF086  }
0x25: {  	[simem:s6], [sflag:s4] =	dma.local [hbm:s3], $0xF7A  }
0x26: {  	[smem:$0x3F9F] =	sst s1;
	(tag) =	ssettag s2;
	_ =	strace s9  }
0x27: {  	s1 =	sld [smem:$0x3FAF]  }
0x28: {  	s2 =	sld [smem:$0x3FB0]  }
0x29: {  	s4 =	sld [smem:$0x3FB2]  }
0x2a: {  	p0 =	seq.s32 s5, $0x0;
	s5 =	sld [smem:$0x3FB3]  }
0x2b: {  	s6 =	sld [smem:$0x3FB4]  }
0x2c: {  	s7 =	sld [smem:$0x3FB5]  }
0x2d: {  	s3 =	simm.s32 $0x108;
	s8 =	sld [smem:$0x3FB6]  }
0x2e: {  	s3 =	simm.s32 @!p0 $0x1082;
	s9 =	sld [smem:$0x3FB7]  }
0x2f: {  	lr =	sadd.s32 s0, s3;
	s0 =	sld [smem:$0x3FAE]  }
0x30: {  	s3 =	sld [smem:$0x3FB1]  }
0x31: {  	[smem:$0x3FBA] =	sst s10  }
0x32: {  	s10 =	sld [smem:$0x3FB8];
	_ =	sdelay $0x3  }
0x33: {  	p0 =	seq.s32 s10, $0x1;
	s10 =	sld [smem:$0x3FBA];
	_ =	sdelay $0x3  }
0x34: {  	[smem:$0x3FBA] =	sst s10  }
0x35: {  	s10 =	sld [smem:$0x3FB9];
	_ =	sdelay $0x3  }
0x36: {  	p1 =	seq.s32 s10, $0x1;
	s10 =	sld [smem:$0x3FBA];
	_ =	sdelay $0x3  }
0x37: {  	[smem:$0x3FBA] =	sst s10  }
0x38: {  	s10 =	sld [smem:$0x3FBB]  }
0x39: {  	_ = 	snop;
	(pc) =	sbr.ind lr, $3  }
0x3a: {  	_ = 	snop  }
0x3b: {  	_ = 	snop  }
0x3c: {  	p2 =	seq.s32 s10, $0x1;
	s10 =	sld [smem:$0x3FBA]  }
0x3d: {  	_ =	shalt  }
0x3e: {  	_ =	shalt  }
0x3f: {  	_ =	shalt  }
0x40: {  	_ =	shalt  }
0x41: {  	_ =	shalt  }
0x42: {  	_ =	shalt  }
0x43: {  	_ =	shalt  }
0x44: {  	_ =	shalt  }
0x45: {  	_ =	shalt  }
0x46: {  	_ =	shalt  }
0x47: {  	_ =	shalt  }
0x48: {  	_ =	shalt  }
0x49: {  	_ =	shalt  }
0x4a: {  	_ =	shalt  }
0x4b: {  	_ =	shalt  }
0x4c: {  	_ =	shalt  }
0x4d: {  	_ =	shalt  }
0x4e: {  	_ =	shalt  }
0x4f: {  	_ =	shalt  }
0x50: {  	_ =	shalt  }
0x51: {  	_ =	shalt  }
0x52: {  	_ =	shalt  }
0x53: {  	_ =	shalt  }
0x54: {  	_ =	shalt  }
0x55: {  	_ =	shalt  }
0x56: {  	_ =	shalt  }
0x57: {  	_ =	shalt  }
0x58: {  	_ =	shalt  }
0x59: {  	_ =	shalt  }
0x5a: {  	_ =	shalt  }
0x5b: {  	_ =	shalt  }
0x5c: {  	_ =	shalt  }
0x5d: {  	_ =	shalt  }
0x5e: {  	_ =	shalt  }
0x5f: {  	_ =	shalt  }
0x60: {  	_ =	shalt  }
0x61: {  	_ =	shalt  }
0x62: {  	_ =	shalt  }
0x63: {  	_ =	shalt  }
0x64: {  	_ =	shalt  }
0x65: {  	_ =	shalt  }
0x66: {  	_ =	shalt  }
0x67: {  	_ =	shalt  }
0x68: {  	_ =	shalt  }
0x69: {  	_ =	shalt  }
0x6a: {  	_ =	shalt  }
0x6b: {  	_ =	shalt  }
0x6c: {  	_ =	shalt  }
0x6d: {  	_ =	shalt  }
0x6e: {  	_ =	shalt  }
0x6f: {  	_ =	shalt  }
0x70: {  	_ =	shalt  }
0x71: {  	_ =	shalt  }
0x72: {  	_ =	shalt  }
0x73: {  	_ =	shalt  }
0x74: {  	_ =	shalt  }
0x75: {  	_ =	shalt  }
0x76: {  	_ =	shalt  }
0x77: {  	_ =	shalt  }
0x78: {  	_ =	shalt  }
0x79: {  	_ =	shalt  }
0x7a: {  	_ =	shalt  }
0x7b: {  	_ =	shalt  }
0x7c: {  	_ =	shalt  }
0x7d: {  	_ =	shalt  }
0x7e: {  	_ =	shalt  }
0x7f: {  	_ =	shalt  }
0x80: {  	_ =	shalt  }
0x81: {  	_ =	shalt  }
0x82: {  	_ =	shalt  }
0x83: {  	_ =	shalt  }
0x84: {  	_ =	shalt  }
0x85: {  	_ =	shalt  }
0x86: {  	_ =	shalt  }
0x87: {  	_ =	shalt  }
.Lfunc_end0:
.L_simem_size_0:
called_computation_lowered:
.L_overlay_start_0:
0x88: {  	s2 =	sld [smem:$0x3FD9]  }
0x89: {  	s3 =	sld [smem:$0x3FFE];
	_ =	sdelay $0x1  }
0x8a: {  	s1 =	srdreg.scid  }
0x8b: {  	s0 =	sand.u32 $0x1, s1  }
0x8c: {  	s14 =	sshll.u32 s0, $0xA;
	s2 =	sadd.s32 s3, s2  }
0x8d: {  	s2 =	sadd.s32 s2, s14  }
0x8e: {  	[smem:$0x3FC6] =	sst s2  }
0x8f: {  	_ = 	snop  }
0x90: {  	s2 =	sld [smem:$0x3FD0];
	_ =	sdelay $0x2  }
0x91: {  	s15 =	simm.s32 $0xA;
	s4 =	simm.s32 $0x10  }
0x92: {  	[smem:s4], [sflag:s15] =	dma.local [hbm:s2], $0x1  }
0x93: {  	_ =	swait.eq [sflag:s15], $0x1  }
0x94: {  	[sflag:s15] =	ssyncset.done $0x0  }
0x95: {  	[sflag:s15] =	ssyncadd.s32 $0xFFFFFFFF  }
0x96: {  	s16 =	sld [smem:$0x10];
	(tm) =	ssettm $0x1  }
0x97: {  	s17 =	sld [smem:$0x3FFB];
	_ =	sdelay $0x3  }
0x98: {  	_ =	strace s17  }
0x99: {  	s3 =	sld [smem:$0x3FFC];
	_ =	sdelay $0x3  }
0x9a: {  	_ =	strace s3  }
0x9b: {  	s3 =	sld [smem:$0x3FFD];
	_ =	sdelay $0x3  }
0x9c: {  	_ =	strace s3  }
0x9d: {  	_ =	strace $0x8FFFFFFF  }
0x9e: {  	s18 =	sld [smem:$0x3FDB];
	_ =	sdelay $0x1  }
0x9f: {  	s19 =	simm.s32 $_scs_section_size  }
0xa0: {  	s5 =	simm.s32 $_size__tile_overlayer_lowered;
	s6 =	simm.s32 $_tile_overlayer_lowered  }
0xa1: {  	s22 =	simm.s32 $0x1BFF;
	s21 =	sshll.u32 s6, $0x1;
	s3 =	sadd.s32 s19, s18  }
0xa2: {  	s7 =	simm.s32 $0x0;
	s20 =	sshll.u32 s5, $0x1;
	s5 =	sadd.s32 s21, s3  }
0xa3: {  	[timem:s7], [sflag:s22] =	dma.local [hbm:s5], s20  }
0xa4: {  	_ =	swait.ge [sflag:s22], s20  }
0xa5: {  	s4 =	ssub.s32 $0x0, s20;
	[sflag:s22] =	ssyncset.done $0x0  }
0xa6: {  	[sflag:s22] =	ssyncadd.s32 s4;
	_ =	sdelay $0x1  }
0xa7: {  	s23 =	simm.s32 $0x1B8B  }
0xa8: {  	_ =	swait.ge [sflag:s23], $0x1  }
0xa9: {  	[sflag:s23] =	ssyncset.done $0x0  }
0xaa: {  	s25 =	simm.s32 $0x1B8E;
	s24 =	sld [smem:$0x3FFE];
	[sflag:s23] =	ssyncadd.s32 $0xFFFFFFFF  }
0xab: {  	s26 =	simm.s32 $execute0_lowered;
	[smem:$0x3FD2] =	sst s25  }
0xac: {  	s5 =	sshll.u32 s26, $0x1;
	_ =	strace $0x80000046;
	[dreg:$0x1] =	wrdreg $0xFFFFFFFF  }
0xad: {  	s28 =	simm.s32 $_size_execute0_lowered;
	s3 =	sadd.s32 s3, s5;
	[dreg:$0x0] =	wrdreg $0x0  }
0xae: {  	s5 =	sshll.u32 s28, $0x1;
	[dreg:$0x2] =	wrdreg s3  }
0xaf: {  	[dreg:$0x3] =	wrdreg s5  }
0xb0: {  	[dreg:$0x4] =	wrdreg $0xC0  }
0xb1: {  	_ =	task [dreg:s7], $0x5FFFF  }
0xb2: {  	[dreg:$0x1] =	wrdreg $0xFFFFFFFF  }
0xb3: {  	[dreg:$0x0] =	wrdreg $0x60  }
0xb4: {  	[dreg:$0x2] =	wrdreg s24  }
0xb5: {  	[dreg:$0x3] =	wrdreg s16  }
0xb6: {  	[dreg:$0x4] =	wrdreg $0x9  }
0xb7: {  	_ =	task.clear_ibuf [dreg:s7], $0x5FFFF;
	_ =	strace $0x90000046  }
0xb8: {  	s29 =	simm.s32 $0x9;
	_ =	strace $0x80000048  }
0xb9: {  	_ =	swait.ge [sflag:s29], $0x1  }
0xba: {  	[sflag:s29] =	ssyncadd.s32 $0xFFFFFFFF  }
0xbb: {  	_ =	strace $0x90000048  }
0xbc: {  	_ =	sfence  }
0xbd: {  	s30 =	sld [smem:$0x0];
	_ =	sdelay $0x2  }
0xbe: {  	s31 =	sshll.u32 s1, $0xD;
	s1 =	sshrl.u32 s1, $0x2  }
0xbf: {  	s3 =	sand.u32 $0x4000, s31;
	s1 =	sadd.s32 s1, s30  }
0xc0: {  	s0 =	sor.u32 s3, s0;
	s1 =	sshll.u32 s1, $0x11  }
0xc1: {  	s0 =	sor.u32 s1, s0  }
0xc2: {  	s0 =	sadd.s32 $0x8F2B, s0  }
0xc3: {  	[sflag:s0] =	ssyncadd.remote.s32 $0x1  }
0xc4: {  	_ =	sfence.sel $0xFFFF  }
0xc5: {  	[dreg:$0x0] =	wrdreg $0xFFFFFFFF;
	(pc) =	sbr.abs _section_cstart, $3  }
0xc6: {  	[dreg:$0x1] =	wrdreg $0xFFFFFFFF  }
0xc7: {  	_ =	task.clear_ibuf [dreg:s7], $0x2FFFF;
	_ =	strace $0x9FFFFFFF  }
0xc8: {  	(tm) =	ssettm $0x7FFFFFFF  }
0xc9: {  	_ =	shalt  }
tec
execute0_lowered:
.L_overlay_start_1:
0x0: {  	(tag) =	ssettag $0x1  }
0x1: {  	s3 =	rddreg [dreg:$0x0]  }
0x2: {  	s5 =	rddreg [dreg:$0x1]  }
0x3: {  	s0 =	rddreg [dreg:$0x2]  }
0x4: {  	s4 =	srdreg.scid;
	s1 =	stileid.u32;
	v0 =	vlaneseq.u32  }
0x5: {  	s2 =	simm.s32 $0x0;
	s4 =	sand.u32 $0x1, s4;
	s6 =	sshll.u32 s1, $0x1;
	v1 =	vmul.u32 $0x10, v0  }
0x6: {  	s10 =	simm.s32 $0x0;
	[smem:$0x7FF] =	sst s2;
	s6 =	sor.u32 s4, s6  }
0x7: {  	_ =	strace $0x80000047;
	s4 =	ssub.s32 $0x2, s4;
	s7 =	sshll.u32 s6, $0xB;
	v2 =	vor.u32 $0x1, v1;
	v3 =	vor.u32 $0x2, v1;
	v4 =	vor.u32 $0x3, v1  }
0x8: {  	s6 =	sshll.u32 s6, $0x5;
	s31 =	sshrl.u32 s4, $0x1;
	v5 =	vor.u32 $0x4, v1;
	v6 =	vor.u32 $0x5, v1;
	v7 =	vor.u32 $0x6, v1;
	s7 =	sadd.s32 s7, s3  }
0x9: {  	v8 =	vor.u32 $0x7, v1;
	v9 =	vor.u32 $0x8, v1;
	v10 =	vor.u32 $0x9, v1;
	s8 =	sadd.s32 s6, s3;
	s9 =	ssub.s32 s4, s31;
	s5 =	sadd.s32 s5, s6  }
0xa: {  	v11 =	vor.u32 $0xA, v1;
	v12 =	vor.u32 $0xB, v1;
	v13 =	vor.u32 $0xC, v1;
	s3 =	sadd.s32 $0xA00, s7;
	s4 =	sadd.s32 $0x10A00, s8;
	s6 =	smax.u32 s9, $0x1  }
0xb: {  	v14 =	vor.u32 $0xD, v1;
	v15 =	vor.u32 $0xE, v1;
	v16 =	vor.u32 $0xF, v1;
	s7 =	simm.s32 $0x1;
	s8 =	simm.s32 $0x4400;
	s9 =	simm.s32 $0x4500  }
.LBB2_1:
0xc: {  	v17 =	vor.u32 s2, v2  }
0xd: {  	[tilespmem:s2], [sflag:$0x1] =	stream.linear.gather [hbm4b:s3+s2], $0x4000, $0x38;
	v18 =	vor.u32 s2, v1;
	[tilespmem:$0x4600] =	vst v63  }
0xe: {  	v19 =	vor.u32 s2, v3;
	_ =	swait.ge [sflag:s7], $0x4000  }
0xf: {  	v20 =	vor.u32 s2, v4;
	[sflag:s7] =	ssyncset.done $0x0  }
0x10: {  	v21 =	vor.u32 s2, v5;
	[sflag:s7] =	ssyncadd.s32 $0xFFFFC000  }
0x11: {  	v22 =	vor.u32 s2, v6;
	v17 =	vld.idx.msk [tilespmem:v17+s2+$0x0], $0xffff  }
0x12: {  	v23 =	vor.u32 s2, v7;
	v18 =	vld.idx.msk [tilespmem:v18+s2+$0x0], $0xffff  }
0x13: {  	v24 =	vor.u32 s2, v8;
	v19 =	vld.idx.msk [tilespmem:v19+s2+$0x0], $0xffff  }
0x14: {  	v25 =	vor.u32 s2, v9;
	v20 =	vld.idx.msk [tilespmem:v20+s2+$0x0], $0xffff  }
0x15: {  	v26 =	vor.u32 s2, v10;
	v21 =	vld.idx.msk [tilespmem:v21+s2+$0x0], $0xffff  }
0x16: {  	v27 =	vor.u32 s2, v11;
	v22 =	vld.idx.msk [tilespmem:v22+s2+$0x0], $0xffff  }
0x17: {  	v28 =	vor.u32 s2, v12;
	v23 =	vld.idx.msk [tilespmem:v23+s2+$0x0], $0xffff;
	v17 =	vmax.f32 v18, v17  }
0x18: {  	v18 =	vld.idx.msk [tilespmem:v24+s2+$0x0], $0xffff;
	v24 =	vor.u32 s2, v13;
	v17 =	vmax.f32 v17, v19  }
0x19: {  	v19 =	vld.idx.msk [tilespmem:v25+s2+$0x0], $0xffff;
	v25 =	vor.u32 s2, v14;
	v17 =	vmax.f32 v17, v20  }
0x1a: {  	v20 =	vld.idx.msk [tilespmem:v26+s2+$0x0], $0xffff;
	v26 =	vor.u32 s2, v15;
	v17 =	vmax.f32 v17, v21  }
0x1b: {  	v21 =	vld.idx.msk [tilespmem:v27+s2+$0x0], $0xffff;
	v27 =	vor.u32 s2, v16;
	v17 =	vmax.f32 v17, v22  }
0x1c: {  	v22 =	vld.idx.msk [tilespmem:v28+s2+$0x0], $0xffff;
	v17 =	vmax.f32 v17, v23  }
0x1d: {  	v23 =	vld.idx.msk [tilespmem:v24+s2+$0x0], $0xffff;
	v17 =	vmax.f32 v17, v18  }
0x1e: {  	v18 =	vld.idx.msk [tilespmem:v25+s2+$0x0], $0xffff;
	v17 =	vmax.f32 v17, v19  }
0x1f: {  	v19 =	vld.idx.msk [tilespmem:v26+s2+$0x0], $0xffff;
	v17 =	vmax.f32 v17, v20  }
0x20: {  	v20 =	vld.idx.msk [tilespmem:v27+s2+$0x0], $0xffff;
	v17 =	vmax.f32 v17, v21  }
0x21: {  	s11 =	simm.s32 $0x1000;
	v17 =	vmax.f32 v17, v22  }
0x22: {  	v21 =	vor.u32 s11, v1;
	v17 =	vmax.f32 v17, v23  }
0x23: {  	v17 =	vmax.f32 v17, v18;
	v18 =	vor.u32 s11, v2  }
0x24: {  	v17 =	vmax.f32 v17, v19;
	v19 =	vor.u32 s11, v3  }
0x25: {  	s12 =	simm.s32 $0x4200;
	v17 =	vmax.f32 v17, v20;
	v20 =	vor.u32 s11, v4  }
0x26: {  	v22 =	vor.u32 s11, v5;
	[tilespmem:s12+$0xFFFFFE00] =	vst v17  }
0x27: {  	v23 =	vor.u32 s11, v6;
	v21 =	vld.idx.msk [tilespmem:v21+s2+$0x0], $0xffff  }
0x28: {  	v24 =	vor.u32 s11, v7;
	v18 =	vld.idx.msk [tilespmem:v18+s2+$0x0], $0xffff  }
0x29: {  	v25 =	vor.u32 s11, v8;
	v19 =	vld.idx.msk [tilespmem:v19+s2+$0x0], $0xffff  }
0x2a: {  	v26 =	vor.u32 s11, v9;
	v20 =	vld.idx.msk [tilespmem:v20+s2+$0x0], $0xffff  }
0x2b: {  	v27 =	vor.u32 s11, v10;
	v22 =	vld.idx.msk [tilespmem:v22+s2+$0x0], $0xffff  }
0x2c: {  	v28 =	vor.u32 s11, v11;
	v23 =	vld.idx.msk [tilespmem:v23+s2+$0x0], $0xffff  }
0x2d: {  	v29 =	vor.u32 s11, v12;
	v24 =	vld.idx.msk [tilespmem:v24+s2+$0x0], $0xffff;
	v18 =	vmax.f32 v21, v18  }
0x2e: {  	v21 =	vld.idx.msk [tilespmem:v25+s2+$0x0], $0xffff;
	v25 =	vor.u32 s11, v13;
	v18 =	vmax.f32 v18, v19  }
0x2f: {  	v19 =	vld.idx.msk [tilespmem:v26+s2+$0x0], $0xffff;
	v26 =	vor.u32 s11, v14;
	v18 =	vmax.f32 v18, v20  }
0x30: {  	v20 =	vld.idx.msk [tilespmem:v27+s2+$0x0], $0xffff;
	v27 =	vor.u32 s11, v15;
	v18 =	vmax.f32 v18, v22  }
0x31: {  	v22 =	vld.idx.msk [tilespmem:v28+s2+$0x0], $0xffff;
	v28 =	vor.u32 s11, v16;
	v18 =	vmax.f32 v18, v23  }
0x32: {  	v23 =	vld.idx.msk [tilespmem:v29+s2+$0x0], $0xffff;
	v18 =	vmax.f32 v18, v24  }
0x33: {  	v24 =	vld.idx.msk [tilespmem:v25+s2+$0x0], $0xffff;
	v18 =	vmax.f32 v18, v21  }
0x34: {  	v21 =	vld.idx.msk [tilespmem:v26+s2+$0x0], $0xffff;
	v18 =	vmax.f32 v18, v19  }
0x35: {  	v19 =	vld.idx.msk [tilespmem:v27+s2+$0x0], $0xffff;
	v18 =	vmax.f32 v18, v20  }
0x36: {  	v20 =	vld.idx.msk [tilespmem:v28+s2+$0x0], $0xffff;
	v18 =	vmax.f32 v18, v22  }
0x37: {  	s30 =	simm.s32 $0x2000;
	v18 =	vmax.f32 v18, v23  }
0x38: {  	v22 =	vor.u32 s30, v1;
	v18 =	vmax.f32 v18, v24  }
0x39: {  	v18 =	vmax.f32 v18, v21;
	v21 =	vor.u32 s30, v2  }
0x3a: {  	v18 =	vmax.f32 v18, v19;
	v19 =	vor.u32 s30, v3  }
0x3b: {  	v18 =	vmax.f32 v18, v20;
	v20 =	vor.u32 s30, v4  }
0x3c: {  	v23 =	vor.u32 s30, v5;
	[tilespmem:s12+$0xFFFFFF00] =	vst v18  }
0x3d: {  	v24 =	vor.u32 s30, v6;
	v22 =	vld.idx.msk [tilespmem:v22+s2+$0x0], $0xffff  }
0x3e: {  	v25 =	vor.u32 s30, v7;
	v21 =	vld.idx.msk [tilespmem:v21+s2+$0x0], $0xffff  }
0x3f: {  	v26 =	vor.u32 s30, v8;
	v19 =	vld.idx.msk [tilespmem:v19+s2+$0x0], $0xffff  }
0x40: {  	v27 =	vor.u32 s30, v9;
	v20 =	vld.idx.msk [tilespmem:v20+s2+$0x0], $0xffff  }
0x41: {  	v28 =	vor.u32 s30, v10;
	v23 =	vld.idx.msk [tilespmem:v23+s2+$0x0], $0xffff  }
0x42: {  	v29 =	vor.u32 s30, v11;
	v24 =	vld.idx.msk [tilespmem:v24+s2+$0x0], $0xffff  }
0x43: {  	v30 =	vor.u32 s30, v12;
	v25 =	vld.idx.msk [tilespmem:v25+s2+$0x0], $0xffff;
	v21 =	vmax.f32 v22, v21  }
0x44: {  	v22 =	vld.idx.msk [tilespmem:v26+s2+$0x0], $0xffff;
	v26 =	vor.u32 s30, v13;
	v19 =	vmax.f32 v21, v19  }
0x45: {  	v21 =	vld.idx.msk [tilespmem:v27+s2+$0x0], $0xffff;
	v27 =	vor.u32 s30, v14;
	v19 =	vmax.f32 v19, v20  }
0x46: {  	v20 =	vld.idx.msk [tilespmem:v28+s2+$0x0], $0xffff;
	v28 =	vor.u32 s30, v15;
	v19 =	vmax.f32 v19, v23  }
0x47: {  	v23 =	vld.idx.msk [tilespmem:v29+s2+$0x0], $0xffff;
	v29 =	vor.u32 s30, v16;
	v19 =	vmax.f32 v19, v24  }
0x48: {  	v24 =	vld.idx.msk [tilespmem:v30+s2+$0x0], $0xffff;
	v19 =	vmax.f32 v19, v25  }
0x49: {  	v25 =	vld.idx.msk [tilespmem:v26+s2+$0x0], $0xffff;
	v19 =	vmax.f32 v19, v22  }
0x4a: {  	v22 =	vld.idx.msk [tilespmem:v27+s2+$0x0], $0xffff;
	v19 =	vmax.f32 v19, v21  }
0x4b: {  	v21 =	vld.idx.msk [tilespmem:v28+s2+$0x0], $0xffff;
	v19 =	vmax.f32 v19, v20  }
0x4c: {  	v20 =	vld.idx.msk [tilespmem:v29+s2+$0x0], $0xffff;
	v19 =	vmax.f32 v19, v23  }
0x4d: {  	s31 =	simm.s32 $0x3000;
	v19 =	vmax.f32 v19, v24  }
0x4e: {  	v23 =	vor.u32 s31, v1;
	v19 =	vmax.f32 v19, v25  }
0x4f: {  	v19 =	vmax.f32 v19, v22;
	v22 =	vor.u32 s31, v2  }
0x50: {  	v19 =	vmax.f32 v19, v21;
	v21 =	vor.u32 s31, v3  }
0x51: {  	v19 =	vmax.f32 v19, v20;
	v20 =	vor.u32 s31, v4  }
0x52: {  	v24 =	vor.u32 s31, v5;
	[tilespmem:s12+$0x0] =	vst v19  }
0x53: {  	v25 =	vor.u32 s31, v6;
	v23 =	vld.idx.msk [tilespmem:v23+s2+$0x0], $0xffff  }
0x54: {  	v26 =	vor.u32 s31, v7;
	v22 =	vld.idx.msk [tilespmem:v22+s2+$0x0], $0xffff  }
0x55: {  	v27 =	vor.u32 s31, v8;
	v21 =	vld.idx.msk [tilespmem:v21+s2+$0x0], $0xffff  }
0x56: {  	v28 =	vor.u32 s31, v9;
	v20 =	vld.idx.msk [tilespmem:v20+s2+$0x0], $0xffff  }
0x57: {  	v29 =	vor.u32 s31, v10;
	v24 =	vld.idx.msk [tilespmem:v24+s2+$0x0], $0xffff  }
0x58: {  	v30 =	vor.u32 s31, v11;
	v25 =	vld.idx.msk [tilespmem:v25+s2+$0x0], $0xffff  }
0x59: {  	v31 =	vor.u32 s31, v12;
	v26 =	vld.idx.msk [tilespmem:v26+s2+$0x0], $0xffff;
	v22 =	vmax.f32 v23, v22  }
0x5a: {  	v23 =	vld.idx.msk [tilespmem:v27+s2+$0x0], $0xffff;
	v27 =	vor.u32 s31, v13;
	v21 =	vmax.f32 v22, v21  }
0x5b: {  	v22 =	vld.idx.msk [tilespmem:v28+s2+$0x0], $0xffff;
	v20 =	vmax.f32 v21, v20  }
0x5c: {  	v28 =	vor.u32 s31, v14;
	v21 =	vld.idx.msk [tilespmem:v29+s2+$0x0], $0xffff;
	v20 =	vmax.f32 v20, v24  }
0x5d: {  	v29 =	vor.u32 s31, v15;
	v24 =	vld.idx.msk [tilespmem:v30+s2+$0x0], $0xffff;
	v20 =	vmax.f32 v20, v25  }
0x5e: {  	v30 =	vor.u32 s31, v16;
	v25 =	vld.idx.msk [tilespmem:v31+s2+$0x0], $0xffff;
	v20 =	vmax.f32 v20, v26  }
0x5f: {  	v26 =	vld.idx.msk [tilespmem:v27+s2+$0x0], $0xffff;
	v20 =	vmax.f32 v20, v23  }
0x60: {  	v20 =	vmax.f32 v20, v22  }
0x61: {  	(xrf0) =	vmax.scan.msk.f32 $0xffff, v17;
	v17 =	vld.idx.msk [tilespmem:v28+s2+$0x0], $0xffff;
	v20 =	vmax.f32 v20, v21  }
0x62: {  	(xrf0) =	vmax.scan.msk.f32 $0xffff, v18;
	v18 =	vld.idx.msk [tilespmem:v29+s2+$0x0], $0xffff;
	v20 =	vmax.f32 v20, v24  }
0x63: {  	(xrf0) =	vmax.scan.msk.f32 $0xffff, v19;
	v19 =	vld.idx.msk [tilespmem:v30+s2+$0x0], $0xffff;
	v20 =	vmax.f32 v20, v25  }
0x64: {  	s14 =	simm.s32 $0x100;
	v20 =	vmax.f32 v20, v26  }
0x65: {  	v23 =	vor.u32 s14, v2  }
0x66: {  	v21 =	vor.u32 s14, v3;
	v17 =	vmax.f32 v20, v17  }
0x67: {  	v24 =	vor.u32 s14, v1;
	v17 =	vmax.f32 v17, v18;
	v20, _, _ =	vpop (xrf0)  }
0x68: {  	v26 =	vor.u32 s14, v4;
	v27 =	vmax.f32 v17, v19;
	v18, _, _ =	vpop (xrf0)  }
0x69: {  	v28 =	vor.u32 s14, v5;
	v20 =	vbroadcast v20, $0xF;
	[tilespmem:s12+$0x100] =	vst v27;
	v22, _, _ =	vpop (xrf0)  }
0x6a: {  	v19 =	vmov s2;
	(xrf0) =	vmax.scan.msk.f32 $0xffff, v27;
	v18 =	vbroadcast v18, $0xF;
	v23 =	vld.idx.msk [tilespmem:v23+s2+$0x0], $0xffff;
	v25 =	vbroadcast v22, $0xF  }
0x6b: {  	v29 =	vor.u32 s14, v6;
	v17 =	vimm.f32 $-Inf;
	vm0 =	veq.s32 v19, v0;
	v22 =	vld.idx.msk [tilespmem:v21+s2+$0x0], $0xffff  }
0x6c: {  	s13 =	simm.s32 $0x1;
	v19 =	vsel vm0, v20, v17;
	v20 =	vsel vm0, v18, v17;
	v18 =	vsel vm0, v25, v17;
	v25 =	vld.idx.msk [tilespmem:v24+s2+$0x0], $0xffff  }
0x6d: {  	s15 =	simm.s32 $0x2;
	s16 =	simm.s32 $0x200;
	s11 =	simm.s32 $0x0;
	v27 =	vor.u32 s14, v7;
	v21 =	vor.u32 s14, v9;
	v24 =	vld.idx.msk [tilespmem:v26+s2+$0x0], $0xffff;
	v26 =	vor.u32 s14, v8  }
.LBB2_2:
0x6e: {  	p0 =	sne.s32 s15, $0xF  }
0x6f: {  	v30 =	vor.u32 s16, v9;
	s12 =	sadd.s32 $0x10, s12;
	s17 =	smov.u32 s15;
	s15 =	sadd.s32 $0x1, s15  }
0x70: {  	v31 =	vor.u32 s14, v10;
	v28 =	vld.idx.msk [tilespmem:v28+s11+$0x0], $0xffff;
	v32, _, _ =	vpop (xrf0)  }
0x71: {  	v33 =	vor.u32 s14, v11;
	v29 =	vld.idx.msk [tilespmem:v29+s11+$0x0], $0xffff;
	v32 =	vbroadcast v32, $0xF  }
0x72: {  	v34 =	vor.u32 s14, v12;
	v27 =	vld.idx.msk [tilespmem:v27+s11+$0x0], $0xffff  }
0x73: {  	v23 =	vmax.f32 v25, v23;
	v25 =	vld.idx.msk [tilespmem:v26+s11+$0x0], $0xffff;
	v26 =	vor.u32 s14, v13;
	v17 =	vsel vm0, v32, v17  }
0x74: {  	v22 =	vmax.f32 v23, v22;
	v32 =	vor.u32 s14, v14;
	v23 =	vld.idx.msk [tilespmem:v21+s11+$0x0], $0xffff;
	v21 =	vmov v30  }
0x75: {  	v22 =	vmax.f32 v22, v24;
	v30 =	vor.u32 s14, v15;
	v24 =	vld.idx.msk [tilespmem:v31+s11+$0x0], $0xffff  }
0x76: {  	v22 =	vmax.f32 v22, v28;
	v31 =	vor.u32 s14, v16;
	v28 =	vld.idx.msk [tilespmem:v33+s11+$0x0], $0xffff  }
0x77: {  	v22 =	vmax.f32 v22, v29;
	v29 =	vld.idx.msk [tilespmem:v34+s11+$0x0], $0xffff  }
0x78: {  	v22 =	vmax.f32 v22, v27;
	v26 =	vld.idx.msk [tilespmem:v26+s11+$0x0], $0xffff  }
0x79: {  	v22 =	vmax.f32 v22, v25;
	v25 =	vld.idx.msk [tilespmem:v32+s11+$0x0], $0xffff  }
0x7a: {  	v22 =	vmax.f32 v22, v23;
	v23 =	vld.idx.msk [tilespmem:v30+s11+$0x0], $0xffff  }
0x7b: {  	v22 =	vmax.f32 v22, v24;
	v24 =	vld.idx.msk [tilespmem:v31+s11+$0x0], $0xffff  }
0x7c: {  	v22 =	vmax.f32 v22, v28  }
0x7d: {  	s18 =	sadd.s32 $0x1000, s14;
	v22 =	vmax.f32 v22, v29  }
0x7e: {  	v22 =	vmax.f32 v22, v26;
	v26 =	vor.u32 s18, v1  }
0x7f: {  	v22 =	vmax.f32 v22, v25;
	v25 =	vor.u32 s18, v2  }
0x80: {  	v22 =	vmax.f32 v22, v23;
	v23 =	vor.u32 s18, v3  }
0x81: {  	v22 =	vmax.f32 v22, v24;
	v24 =	vor.u32 s18, v4  }
0x82: {  	v27 =	vor.u32 s18, v5;
	[tilespmem:s12+$0xFFFFFE00] =	vst v22;
	(xrf0) =	vmax.scan.msk.f32 $0xffff, v22  }
0x83: {  	v22 =	vld.idx.msk [tilespmem:v26+s11+$0x0], $0xffff;
	v26 =	vor.u32 s18, v6  }
0x84: {  	v28 =	vor.u32 s18, v7;
	v25 =	vld.idx.msk [tilespmem:v25+s11+$0x0], $0xffff  }
0x85: {  	v29 =	vor.u32 s18, v8;
	v23 =	vld.idx.msk [tilespmem:v23+s11+$0x0], $0xffff  }
0x86: {  	v30 =	vor.u32 s18, v9;
	v24 =	vld.idx.msk [tilespmem:v24+s11+$0x0], $0xffff  }
0x87: {  	v31 =	vor.u32 s18, v10;
	v27 =	vld.idx.msk [tilespmem:v27+s11+$0x0], $0xffff  }
0x88: {  	v32 =	vor.u32 s18, v11;
	v26 =	vld.idx.msk [tilespmem:v26+s11+$0x0], $0xffff;
	v33, _, _ =	vpop (xrf0)  }
0x89: {  	v35 =	vor.u32 s18, v12;
	v34 =	vmov s13;
	s13 =	smov.u32 s17;
	v33 =	vbroadcast v33, $0xF;
	v28 =	vld.idx.msk [tilespmem:v28+s11+$0x0], $0xffff  }
0x8a: {  	vm0 =	veq.s32 v34, v0;
	v22 =	vmax.f32 v22, v25;
	v25 =	vld.idx.msk [tilespmem:v29+s11+$0x0], $0xffff;
	v29 =	vor.u32 s18, v13  }
0x8b: {  	v22 =	vmax.f32 v22, v23;
	v19 =	vsel vm0, v33, v19;
	v23 =	vld.idx.msk [tilespmem:v30+s11+$0x0], $0xffff;
	v30 =	vor.u32 s18, v14  }
0x8c: {  	v22 =	vmax.f32 v22, v24;
	v24 =	vld.idx.msk [tilespmem:v31+s11+$0x0], $0xffff;
	v31 =	vor.u32 s18, v15  }
0x8d: {  	v22 =	vmax.f32 v22, v27;
	v27 =	vld.idx.msk [tilespmem:v32+s11+$0x0], $0xffff;
	v32 =	vor.u32 s18, v16  }
0x8e: {  	v22 =	vmax.f32 v22, v26;
	v26 =	vld.idx.msk [tilespmem:v35+s11+$0x0], $0xffff  }
0x8f: {  	v22 =	vmax.f32 v22, v28;
	v28 =	vld.idx.msk [tilespmem:v29+s11+$0x0], $0xffff  }
0x90: {  	v22 =	vmax.f32 v22, v25;
	v25 =	vld.idx.msk [tilespmem:v30+s11+$0x0], $0xffff  }
0x91: {  	v22 =	vmax.f32 v22, v23;
	v23 =	vld.idx.msk [tilespmem:v31+s11+$0x0], $0xffff  }
0x92: {  	v22 =	vmax.f32 v22, v24;
	v24 =	vld.idx.msk [tilespmem:v32+s11+$0x0], $0xffff  }
0x93: {  	v22 =	vmax.f32 v22, v27  }
0x94: {  	s17 =	sadd.s32 $0x2000, s14;
	v22 =	vmax.f32 v22, v26  }
0x95: {  	v26 =	vor.u32 s17, v1;
	v22 =	vmax.f32 v22, v28  }
0x96: {  	v22 =	vmax.f32 v22, v25;
	v25 =	vor.u32 s17, v2  }
0x97: {  	v22 =	vmax.f32 v22, v23;
	v23 =	vor.u32 s17, v3  }
0x98: {  	v22 =	vmax.f32 v22, v24;
	v24 =	vor.u32 s17, v4  }
0x99: {  	v27 =	vor.u32 s17, v5;
	[tilespmem:s12+$0xFFFFFF00] =	vst v22;
	(xrf0) =	vmax.scan.msk.f32 $0xffff, v22  }
0x9a: {  	v22 =	vld.idx.msk [tilespmem:v26+s11+$0x0], $0xffff;
	v26 =	vor.u32 s17, v6  }
0x9b: {  	v28 =	vor.u32 s17, v7;
	v25 =	vld.idx.msk [tilespmem:v25+s11+$0x0], $0xffff  }
0x9c: {  	v29 =	vor.u32 s17, v8;
	v23 =	vld.idx.msk [tilespmem:v23+s11+$0x0], $0xffff  }
0x9d: {  	v30 =	vor.u32 s17, v9;
	v24 =	vld.idx.msk [tilespmem:v24+s11+$0x0], $0xffff  }
0x9e: {  	v31 =	vor.u32 s17, v10;
	v27 =	vld.idx.msk [tilespmem:v27+s11+$0x0], $0xffff  }
0x9f: {  	v32 =	vor.u32 s17, v11;
	v26 =	vld.idx.msk [tilespmem:v26+s11+$0x0], $0xffff;
	v33, _, _ =	vpop (xrf0)  }
0xa0: {  	v34 =	vor.u32 s17, v12;
	v33 =	vbroadcast v33, $0xF;
	v28 =	vld.idx.msk [tilespmem:v28+s11+$0x0], $0xffff  }
0xa1: {  	v22 =	vmax.f32 v22, v25;
	v25 =	vld.idx.msk [tilespmem:v29+s11+$0x0], $0xffff;
	v29 =	vor.u32 s17, v13  }
0xa2: {  	v22 =	vmax.f32 v22, v23;
	v20 =	vsel vm0, v33, v20;
	v23 =	vld.idx.msk [tilespmem:v30+s11+$0x0], $0xffff;
	v30 =	vor.u32 s17, v14  }
0xa3: {  	v22 =	vmax.f32 v22, v24;
	v24 =	vld.idx.msk [tilespmem:v31+s11+$0x0], $0xffff;
	v31 =	vor.u32 s17, v15  }
0xa4: {  	v22 =	vmax.f32 v22, v27;
	v27 =	vld.idx.msk [tilespmem:v32+s11+$0x0], $0xffff;
	v32 =	vor.u32 s17, v16  }
0xa5: {  	v22 =	vmax.f32 v22, v26;
	v26 =	vld.idx.msk [tilespmem:v34+s11+$0x0], $0xffff  }
0xa6: {  	v22 =	vmax.f32 v22, v28;
	v28 =	vld.idx.msk [tilespmem:v29+s11+$0x0], $0xffff  }
0xa7: {  	v22 =	vmax.f32 v22, v25;
	v25 =	vld.idx.msk [tilespmem:v30+s11+$0x0], $0xffff  }
0xa8: {  	v22 =	vmax.f32 v22, v23;
	v23 =	vld.idx.msk [tilespmem:v31+s11+$0x0], $0xffff  }
0xa9: {  	v22 =	vmax.f32 v22, v24;
	v24 =	vld.idx.msk [tilespmem:v32+s11+$0x0], $0xffff  }
0xaa: {  	v22 =	vmax.f32 v22, v27  }
0xab: {  	s17 =	sadd.s32 $0x3000, s14;
	s14 =	smov.u32 s16;
	v22 =	vmax.f32 v22, v26  }
0xac: {  	v26 =	vor.u32 s17, v1;
	v22 =	vmax.f32 v22, v28  }
0xad: {  	v22 =	vmax.f32 v22, v25;
	v25 =	vor.u32 s17, v2  }
0xae: {  	v22 =	vmax.f32 v22, v23;
	v23 =	vor.u32 s17, v3  }
0xaf: {  	v22 =	vmax.f32 v22, v24;
	v24 =	vor.u32 s17, v4  }
0xb0: {  	v27 =	vor.u32 s17, v5;
	[tilespmem:s12+$0x0] =	vst v22;
	(xrf0) =	vmax.scan.msk.f32 $0xffff, v22  }
0xb1: {  	v22 =	vld.idx.msk [tilespmem:v26+s11+$0x0], $0xffff;
	v26 =	vor.u32 s17, v6  }
0xb2: {  	v28 =	vor.u32 s17, v7;
	v25 =	vld.idx.msk [tilespmem:v25+s11+$0x0], $0xffff  }
0xb3: {  	v29 =	vor.u32 s17, v8;
	v23 =	vld.idx.msk [tilespmem:v23+s11+$0x0], $0xffff  }
0xb4: {  	v30 =	vor.u32 s17, v9;
	v24 =	vld.idx.msk [tilespmem:v24+s11+$0x0], $0xffff  }
0xb5: {  	v31 =	vor.u32 s17, v10;
	v27 =	vld.idx.msk [tilespmem:v27+s11+$0x0], $0xffff  }
0xb6: {  	v32 =	vor.u32 s17, v11;
	v26 =	vld.idx.msk [tilespmem:v26+s11+$0x0], $0xffff;
	v33, _, _ =	vpop (xrf0)  }
0xb7: {  	v34 =	vor.u32 s17, v12;
	v33 =	vbroadcast v33, $0xF;
	v28 =	vld.idx.msk [tilespmem:v28+s11+$0x0], $0xffff  }
0xb8: {  	v22 =	vmax.f32 v22, v25;
	v25 =	vld.idx.msk [tilespmem:v29+s11+$0x0], $0xffff;
	v29 =	vor.u32 s17, v13  }
0xb9: {  	v22 =	vmax.f32 v22, v23;
	v18 =	vsel vm0, v33, v18;
	v23 =	vld.idx.msk [tilespmem:v30+s11+$0x0], $0xffff;
	v30 =	vor.u32 s17, v14  }
0xba: {  	v22 =	vmax.f32 v22, v24;
	v24 =	vld.idx.msk [tilespmem:v31+s11+$0x0], $0xffff;
	v31 =	vor.u32 s17, v15  }
0xbb: {  	v22 =	vmax.f32 v22, v27;
	v27 =	vld.idx.msk [tilespmem:v32+s11+$0x0], $0xffff;
	v32 =	vor.u32 s17, v16  }
0xbc: {  	v22 =	vmax.f32 v22, v26;
	v26 =	vld.idx.msk [tilespmem:v34+s11+$0x0], $0xffff  }
0xbd: {  	v22 =	vmax.f32 v22, v28;
	v28 =	vld.idx.msk [tilespmem:v29+s11+$0x0], $0xffff  }
0xbe: {  	v22 =	vmax.f32 v22, v25;
	v25 =	vld.idx.msk [tilespmem:v30+s11+$0x0], $0xffff  }
0xbf: {  	v22 =	vmax.f32 v22, v23;
	v23 =	vld.idx.msk [tilespmem:v31+s11+$0x0], $0xffff  }
0xc0: {  	v22 =	vmax.f32 v22, v24;
	v24 =	vld.idx.msk [tilespmem:v32+s11+$0x0], $0xffff  }
0xc1: {  	v22 =	vmax.f32 v22, v27  }
0xc2: {  	v22 =	vmax.f32 v22, v26  }
0xc3: {  	v26 =	vor.u32 s16, v3;
	v22 =	vmax.f32 v22, v28  }
0xc4: {  	v27 =	vor.u32 s16, v2;
	v22 =	vmax.f32 v22, v25  }
0xc5: {  	v25 =	vor.u32 s16, v1;
	v22 =	vmax.f32 v22, v23  }
0xc6: {  	v30 =	vor.u32 s16, v4;
	v22 =	vmax.f32 v22, v24  }
.Ltmp0:
0xc7: {  	s11 =	simm.s32 $0x0;
	[tilespmem:s12+$0x100] =	vst v22;
	(xrf0) =	vmax.scan.msk.f32 $0xffff, v22;
	(pc) =	sbr.rel @p0 .LBB2_2-.Ltmp0, $4  }
0xc8: {  	v28 =	vor.u32 s16, v5;
	v22 =	vld.idx.msk [tilespmem:v26+s11+$0x0], $0xffff  }
0xc9: {  	v29 =	vor.u32 s16, v6;
	v23 =	vld.idx.msk [tilespmem:v27+s11+$0x0], $0xffff  }
0xca: {  	v27 =	vor.u32 s16, v7;
	v25 =	vld.idx.msk [tilespmem:v25+s11+$0x0], $0xffff  }
0xcb: {  	v26 =	vor.u32 s14, v8;
	s16 =	sadd.s32 $0x100, s16;
	v24 =	vld.idx.msk [tilespmem:v30+s11+$0x0], $0xffff  }
0xcc: {  	_ =	sdelay $0x3  }
0xcd: {  	v28 =	vld.idx.msk [tilespmem:v28+s11+$0x0], $0xffff;
	v30 =	vor.u32 s14, v10  }
0xce: {  	v29 =	vld.idx.msk [tilespmem:v29+s11+$0x0], $0xffff;
	v31 =	vor.u32 s14, v11  }
0xcf: {  	v27 =	vld.idx.msk [tilespmem:v27+s11+$0x0], $0xffff;
	v32 =	vor.u32 s14, v12;
	v23 =	vmax.f32 v25, v23  }
0xd0: {  	v25 =	vld.idx.msk [tilespmem:v26+s11+$0x0], $0xffff;
	v26 =	vor.u32 s14, v13;
	v22 =	vmax.f32 v23, v22  }
0xd1: {  	v21 =	vld.idx.msk [tilespmem:v21+s11+$0x0], $0xffff;
	v23 =	vor.u32 s14, v14;
	v22 =	vmax.f32 v22, v24  }
0xd2: {  	v24 =	vld.idx.msk [tilespmem:v30+s11+$0x0], $0xffff;
	v30 =	vor.u32 s14, v15;
	v22 =	vmax.f32 v22, v28  }
0xd3: {  	v28 =	vld.idx.msk [tilespmem:v31+s11+$0x0], $0xffff;
	v31 =	vor.u32 s14, v16;
	v22 =	vmax.f32 v22, v29  }
0xd4: {  	v29 =	vld.idx.msk [tilespmem:v32+s11+$0x0], $0xffff;
	v22 =	vmax.f32 v22, v27  }
0xd5: {  	v26 =	vld.idx.msk [tilespmem:v26+s11+$0x0], $0xffff;
	v22 =	vmax.f32 v22, v25  }
0xd6: {  	v23 =	vld.idx.msk [tilespmem:v23+s11+$0x0], $0xffff;
	v21 =	vmax.f32 v22, v21  }
0xd7: {  	v22 =	vld.idx.msk [tilespmem:v30+s11+$0x0], $0xffff;
	v21 =	vmax.f32 v21, v24  }
0xd8: {  	v24 =	vld.idx.msk [tilespmem:v31+s11+$0x0], $0xffff;
	v21 =	vmax.f32 v21, v28  }
0xd9: {  	s15 =	sadd.s32 $0x1000, s14;
	v21 =	vmax.f32 v21, v29  }
0xda: {  	v25 =	vor.u32 s15, v1;
	v21 =	vmax.f32 v21, v26  }
0xdb: {  	v21 =	vmax.f32 v21, v23;
	v23 =	vor.u32 s15, v2  }
0xdc: {  	v21 =	vmax.f32 v21, v22;
	v22 =	vor.u32 s15, v3  }
0xdd: {  	s12 =	sadd.s32 $0x10, s12;
	v21 =	vmax.f32 v21, v24;
	v24 =	vor.u32 s15, v4  }
0xde: {  	v26 =	vor.u32 s15, v5;
	[tilespmem:s12+$0xFFFFFE00] =	vst v21  }
0xdf: {  	v27 =	vor.u32 s15, v6;
	v25 =	vld.idx.msk [tilespmem:v25+s11+$0x0], $0xffff  }
0xe0: {  	v28 =	vor.u32 s15, v7;
	v23 =	vld.idx.msk [tilespmem:v23+s11+$0x0], $0xffff  }
0xe1: {  	v29 =	vor.u32 s15, v8;
	v22 =	vld.idx.msk [tilespmem:v22+s11+$0x0], $0xffff  }
0xe2: {  	v30 =	vor.u32 s15, v9;
	v24 =	vld.idx.msk [tilespmem:v24+s11+$0x0], $0xffff  }
0xe3: {  	v31 =	vor.u32 s15, v10;
	v26 =	vld.idx.msk [tilespmem:v26+s11+$0x0], $0xffff  }
0xe4: {  	v49 =	vor.u32 s15, v11;
	v27 =	vld.idx.msk [tilespmem:v27+s11+$0x0], $0xffff  }
0xe5: {  	v33 =	vor.u32 s15, v12;
	v28 =	vld.idx.msk [tilespmem:v28+s11+$0x0], $0xffff;
	v23 =	vmax.f32 v25, v23  }
0xe6: {  	v25 =	vld.idx.msk [tilespmem:v29+s11+$0x0], $0xffff;
	v29 =	vor.u32 s15, v13;
	v22 =	vmax.f32 v23, v22  }
0xe7: {  	v23 =	vld.idx.msk [tilespmem:v30+s11+$0x0], $0xffff;
	v30 =	vor.u32 s15, v14;
	v22 =	vmax.f32 v22, v24  }
0xe8: {  	v24 =	vld.idx.msk [tilespmem:v31+s11+$0x0], $0xffff;
	v31 =	vor.u32 s15, v15;
	v22 =	vmax.f32 v22, v26  }
0xe9: {  	v50 =	vor.u32 s15, v16;
	v26 =	vld.idx.msk [tilespmem:v49+s11+$0x0], $0xffff;
	v22 =	vmax.f32 v22, v27  }
0xea: {  	v27 =	vld.idx.msk [tilespmem:v33+s11+$0x0], $0xffff;
	v22 =	vmax.f32 v22, v28  }
0xeb: {  	v28 =	vld.idx.msk [tilespmem:v29+s11+$0x0], $0xffff;
	v22 =	vmax.f32 v22, v25  }
0xec: {  	v25 =	vld.idx.msk [tilespmem:v30+s11+$0x0], $0xffff;
	v22 =	vmax.f32 v22, v23  }
0xed: {  	v23 =	vld.idx.msk [tilespmem:v31+s11+$0x0], $0xffff;
	v22 =	vmax.f32 v22, v24  }
0xee: {  	v24 =	vld.idx.msk [tilespmem:v50+s11+$0x0], $0xffff;
	v22 =	vmax.f32 v22, v26  }
0xef: {  	s23 =	sadd.s32 $0x2000, s14;
	v22 =	vmax.f32 v22, v27  }
0xf0: {  	v26 =	vor.u32 s23, v1;
	v22 =	vmax.f32 v22, v28  }
0xf1: {  	v22 =	vmax.f32 v22, v25;
	v25 =	vor.u32 s23, v2  }
0xf2: {  	v22 =	vmax.f32 v22, v23;
	v23 =	vor.u32 s23, v3  }
0xf3: {  	v22 =	vmax.f32 v22, v24;
	v24 =	vor.u32 s23, v4  }
0xf4: {  	v27 =	vor.u32 s23, v5;
	[tilespmem:s12+$0xFFFFFF00] =	vst v22  }
0xf5: {  	v28 =	vor.u32 s23, v6;
	v26 =	vld.idx.msk [tilespmem:v26+s11+$0x0], $0xffff  }
0xf6: {  	v29 =	vor.u32 s23, v7;
	v25 =	vld.idx.msk [tilespmem:v25+s11+$0x0], $0xffff  }
0xf7: {  	v30 =	vor.u32 s23, v8;
	v23 =	vld.idx.msk [tilespmem:v23+s11+$0x0], $0xffff  }
0xf8: {  	v31 =	vor.u32 s23, v9;
	v24 =	vld.idx.msk [tilespmem:v24+s11+$0x0], $0xffff  }
0xf9: {  	v51 =	vor.u32 s23, v10;
	v27 =	vld.idx.msk [tilespmem:v27+s11+$0x0], $0xffff  }
0xfa: {  	v52 =	vor.u32 s23, v11;
	v28 =	vld.idx.msk [tilespmem:v28+s11+$0x0], $0xffff  }
0xfb: {  	v34 =	vor.u32 s23, v12;
	v29 =	vld.idx.msk [tilespmem:v29+s11+$0x0], $0xffff;
	v25 =	vmax.f32 v26, v25  }
0xfc: {  	v26 =	vld.idx.msk [tilespmem:v30+s11+$0x0], $0xffff;
	v30 =	vor.u32 s23, v13;
	v23 =	vmax.f32 v25, v23  }
0xfd: {  	v25 =	vld.idx.msk [tilespmem:v31+s11+$0x0], $0xffff;
	v31 =	vor.u32 s23, v14;
	v23 =	vmax.f32 v23, v24  }
0xfe: {  	v53 =	vor.u32 s23, v15;
	v24 =	vld.idx.msk [tilespmem:v51+s11+$0x0], $0xffff;
	v23 =	vmax.f32 v23, v27  }
0xff: {  	v54 =	vor.u32 s23, v16;
	v27 =	vld.idx.msk [tilespmem:v52+s11+$0x0], $0xffff;
	v23 =	vmax.f32 v23, v28  }
0x100: {  	v28 =	vld.idx.msk [tilespmem:v34+s11+$0x0], $0xffff;
	v23 =	vmax.f32 v23, v29  }
0x101: {  	v29 =	vld.idx.msk [tilespmem:v30+s11+$0x0], $0xffff;
	v23 =	vmax.f32 v23, v26  }
0x102: {  	v26 =	vld.idx.msk [tilespmem:v31+s11+$0x0], $0xffff;
	v23 =	vmax.f32 v23, v25  }
0x103: {  	v25 =	vld.idx.msk [tilespmem:v53+s11+$0x0], $0xffff;
	v23 =	vmax.f32 v23, v24  }
0x104: {  	v24 =	vld.idx.msk [tilespmem:v54+s11+$0x0], $0xffff;
	v23 =	vmax.f32 v23, v27  }
0x105: {  	s24 =	sadd.s32 $0x3000, s14;
	v23 =	vmax.f32 v23, v28  }
0x106: {  	v27 =	vor.u32 s24, v1;
	v23 =	vmax.f32 v23, v29  }
0x107: {  	v23 =	vmax.f32 v23, v26;
	v26 =	vor.u32 s24, v2  }
0x108: {  	v23 =	vmax.f32 v23, v25;
	v25 =	vor.u32 s24, v3  }
0x109: {  	v23 =	vmax.f32 v23, v24;
	v24 =	vor.u32 s24, v4  }
0x10a: {  	v28 =	vor.u32 s24, v5;
	[tilespmem:s12+$0x0] =	vst v23  }
0x10b: {  	v29 =	vor.u32 s24, v6;
	v27 =	vld.idx.msk [tilespmem:v27+s11+$0x0], $0xffff  }
0x10c: {  	v30 =	vor.u32 s24, v7;
	v26 =	vld.idx.msk [tilespmem:v26+s11+$0x0], $0xffff  }
0x10d: {  	v31 =	vor.u32 s24, v8;
	v25 =	vld.idx.msk [tilespmem:v25+s11+$0x0], $0xffff  }
0x10e: {  	v55 =	vor.u32 s24, v9;
	v24 =	vld.idx.msk [tilespmem:v24+s11+$0x0], $0xffff  }
0x10f: {  	v56 =	vor.u32 s24, v10;
	v28 =	vld.idx.msk [tilespmem:v28+s11+$0x0], $0xffff  }
0x110: {  	v57 =	vor.u32 s24, v11;
	v29 =	vld.idx.msk [tilespmem:v29+s11+$0x0], $0xffff  }
0x111: {  	v35 =	vor.u32 s24, v12;
	v30 =	vld.idx.msk [tilespmem:v30+s11+$0x0], $0xffff;
	v26 =	vmax.f32 v27, v26  }
0x112: {  	v27 =	vld.idx.msk [tilespmem:v31+s11+$0x0], $0xffff;
	v31 =	vor.u32 s24, v13;
	v25 =	vmax.f32 v26, v25  }
0x113: {  	v58 =	vor.u32 s24, v14;
	v26 =	vld.idx.msk [tilespmem:v55+s11+$0x0], $0xffff;
	v24 =	vmax.f32 v25, v24  }
0x114: {  	v59 =	vor.u32 s24, v15;
	v25 =	vld.idx.msk [tilespmem:v56+s11+$0x0], $0xffff;
	v24 =	vmax.f32 v24, v28  }
0x115: {  	v60 =	vor.u32 s24, v16;
	v28 =	vld.idx.msk [tilespmem:v57+s11+$0x0], $0xffff;
	v24 =	vmax.f32 v24, v29  }
0x116: {  	v29 =	vld.idx.msk [tilespmem:v35+s11+$0x0], $0xffff;
	v24 =	vmax.f32 v24, v30  }
0x117: {  	v30 =	vld.idx.msk [tilespmem:v31+s11+$0x0], $0xffff;
	v24 =	vmax.f32 v24, v27  }
0x118: {  	v27 =	vld.idx.msk [tilespmem:v58+s11+$0x0], $0xffff;
	v24 =	vmax.f32 v24, v26  }
0x119: {  	v26 =	vld.idx.msk [tilespmem:v59+s11+$0x0], $0xffff;
	v24 =	vmax.f32 v24, v25  }
0x11a: {  	v25 =	vld.idx.msk [tilespmem:v60+s11+$0x0], $0xffff;
	v24 =	vmax.f32 v24, v28  }
0x11b: {  	v24 =	vmax.f32 v24, v29  }
0x11c: {  	v24 =	vmax.f32 v24, v30  }
0x11d: {  	(xrf0) =	vmax.scan.msk.f32 $0xffff, v21;
	v21 =	vmax.f32 v24, v27  }
0x11e: {  	(xrf0) =	vmax.scan.msk.f32 $0xffff, v22;
	v21 =	vmax.f32 v21, v26  }
0x11f: {  	(xrf0) =	vmax.scan.msk.f32 $0xffff, v23;
	v23 =	vmax.f32 v21, v25  }
0x120: {  	(xrf0) =	vmax.scan.msk.f32 $0xffff, v23;
	_ =	sdelay $0x1  }
0x121: {  	v21, _, _ =	vpop (xrf0)  }
0x122: {  	v25 =	vmov s13;
	v22, _, _ =	vpop (xrf0)  }
0x123: {  	v24, _, _ =	vpop (xrf0)  }
0x124: {  	v24 =	vbroadcast v24, $0xF;
	v26, _, _ =	vpop (xrf0)  }
0x125: {  	vm1 =	veq.s32 v25, v0;
	v21 =	vbroadcast v21, $0xF;
	v22 =	vbroadcast v22, $0xF;
	v25, _, _ =	vpop (xrf0)  }
0x126: {  	v20 =	vsel vm1, v24, v20;
	v24 =	vbroadcast v25, $0xF  }
0x127: {  	v21 =	vsel vm0, v21, v17;
	v17 =	vsel vm1, v22, v19;
	v22 =	vbroadcast v26, $0xF;
	(xrf0) =	vmax.scan.msk.f32 $0xffff, v20  }
0x128: {  	(xrf0) =	vmax.scan.msk.f32 $0xffff, v17;
	v19 =	vsel vm1, v24, v21  }
0x129: {  	v18 =	vsel vm1, v22, v18;
	(xrf0) =	vmax.scan.msk.f32 $0xffff, v19  }
0x12a: {  	(xrf0) =	vmax.scan.msk.f32 $0xffff, v18;
	_ =	sdelay $0x2  }
0x12b: {  	v21, _, _ =	vpop (xrf0)  }
0x12c: {  	v22 =	vbroadcast v21, $0xF;
	v21, _, _ =	vpop (xrf0)  }
0x12d: {  	v21 =	vbroadcast v21, $0xF;
	v24, _, _ =	vpop (xrf0)  }
0x12e: {  	vm4 =	veq.f32 v20, v22;
	v28 =	vbroadcast v24, $0xF;
	v24, _, _ =	vpop (xrf0)  }
0x12f: {  	vm5 =	veq.f32 v17, v21;
	v26 =	vmctz.xlane vm4;
	v29 =	vbroadcast v24, $0xF  }
0x130: {  	v24 =	vmctz.xlane vm5;
	vm6 =	veq.f32 v19, v28  }
0x131: {  	(v2sf) =	vpush v26, $0x0;
	vm7 =	veq.f32 v18, v29;
	v27 =	vmctz.xlane vm6  }
0x132: {  	(v2sf) =	vpush v24, $0x0;
	v30 =	vmctz.xlane vm7  }
0x133: {  	(v2sf) =	vpush v27, $0x0  }
0x134: {  	(v2sf) =	vpush v30, $0x0;
	_ =	sdelay $0xb  }
0x135: {  	s25 =	spop (v2sf)  }
0x136: {  	[tilespmem:s12+$0x100] =	vst v23;
	s12 =	sshll.u32 s25, $0x4;
	s26 =	spop (v2sf)  }
0x137: {  	s14 =	sshll.u32 s26, $0x4;
	v23 =	vld [tilespmem:s12+$0x4100];
	s28 =	spop (v2sf)  }
0x138: {  	v25 =	vld [tilespmem:s14+$0x4000];
	s13 =	sshll.u32 s28, $0x4;
	s29 =	spop (v2sf)  }
0x139: {  	s15 =	sshll.u32 s29, $0x4;
	v31 =	vld [tilespmem:s13+$0x4300]  }
0x13a: {  	v61 =	vld [tilespmem:s15+$0x4200];
	_ =	sdelay $0x1  }
0x13b: {  	vm8 =	veq.f32 v23, v22  }
0x13c: {  	vm9 =	veq.f32 v25, v21;
	v62 =	vmctz.xlane vm8  }
0x13d: {  	v38 =	vmctz.xlane vm9;
	vm10 =	veq.f32 v31, v28  }
0x13e: {  	(v2sf) =	vpush v62, $0x0;
	vm11 =	veq.f32 v61, v29;
	v63 =	vmctz.xlane vm10  }
0x13f: {  	(v2sf) =	vpush v38, $0x0;
	v39 =	vmctz.xlane vm11  }
0x140: {  	(v2sf) =	vpush v63, $0x0  }
0x141: {  	(v2sf) =	vpush v39, $0x0;
	_ =	sdelay $0xb  }
0x142: {  	s16 =	spop (v2sf)  }
0x143: {  	s16 =	sadd.s32 s12, s16;
	s17 =	spop (v2sf)  }
0x144: {  	s18 =	sadd.s32 s14, s17;
	s17 =	sshll.u32 s16, $0x4;
	s30 =	spop (v2sf)  }
0x145: {  	s19 =	sshll.u32 s18, $0x4;
	v35 =	vld [tilespmem:s17+$0x1000];
	s16 =	sadd.s32 s13, s30;
	s31 =	spop (v2sf)  }
0x146: {  	v37 =	vld [tilespmem:s19+$0x0];
	s20 =	sadd.s32 s15, s31;
	s18 =	sshll.u32 s16, $0x4  }
0x147: {  	s20 =	sshll.u32 s20, $0x4;
	v33 =	vld [tilespmem:s18+$0x3000]  }
0x148: {  	v23 =	vbroadcast v27, $0x0;
	v25 =	vbroadcast v24, $0x0;
	v36 =	vld [tilespmem:s20+$0x2000]  }
0x149: {  	v24 =	vbroadcast v26, $0x0;
	v26 =	vbroadcast v30, $0x0  }
0x14a: {  	v31 =	vbroadcast v62, $0x0;
	v30 =	vbroadcast v38, $0x0;
	vm12 =	veq.f32 v35, v22  }
0x14b: {  	v27 =	vbroadcast v63, $0x0;
	vm13 =	veq.f32 v37, v21;
	v38 =	vmctz.xlane vm12  }
0x14c: {  	v32 =	vbroadcast v39, $0x0;
	v41 =	vmctz.xlane vm13;
	vm14 =	veq.f32 v33, v28  }
0x14d: {  	(v2sf) =	vpush v38, $0x0;
	vm15 =	veq.f32 v36, v29;
	v34 =	vmctz.xlane vm14  }
0x14e: {  	s16 =	simm.s32 $0x1;
	v40 =	vbroadcast v41, $0x0;
	(v2sf) =	vpush v41, $0x0;
	v39 =	vmctz.xlane vm15  }
.LBB2_4:
0x14f: {  	p0 =	sne.s32 s16, $0x3F;
	v38 =	vbroadcast v38, $0x0;
	(v2sf) =	vpush v34, $0x0;
	s21 =	smov.u32 s16;
	s16 =	sadd.s32 $0x1, s16  }
0x150: {  	vm0 =	veq.s32 v40, v0;
	v40 =	vbroadcast v39, $0x0;
	(v2sf) =	vpush v39, $0x0  }
0x151: {  	v37 =	vsel vm0, $0xFF800000, v37;
	vm0 =	veq.s32 v38, v0  }
0x152: {  	v35 =	vsel vm0, $0xFF800000, v35;
	vm0 =	veq.s32 v40, v0;
	(xrf0) =	vmax.scan.msk.f32 $0xffff, v37  }
0x153: {  	v36 =	vsel vm0, $0xFF800000, v36  }
0x154: {  	s22 =	sand.u32 $0x30, s11;
	(xrf0) =	vmax.scan.msk.f32 $0xffff, v36  }
0x155: {  	v38 =	vld [tilespmem:s22+$0x45C0]  }
0x156: {  	v39 =	vld [tilespmem:s22+$0x4580]  }
0x157: {  	s23 =	sand.u32 $0xF, s11;
	s11 =	smov.u32 s21;
	v40 =	vld [tilespmem:s22+$0x4540]  }
0x158: {  	v41 =	vmov s23;
	v42 =	vld [tilespmem:s22+$0x4500];
	v43, _, _ =	vpop (xrf0)  }
0x159: {  	vm0 =	veq.s32 v41, v0;
	v41 =	vld [tilespmem:s22+$0x4440]  }
0x15a: {  	v44 =	vld [tilespmem:s22+$0x4400];
	v28 =	vsel vm0, v28, v38;
	v38, _, _ =	vpop (xrf0)  }
0x15b: {  	v29 =	vsel vm0, v29, v39;
	v39 =	vld [tilespmem:s22+$0x44C0];
	[tilespmem:s22+$0x45C0] =	vst v28  }
0x15c: {  	v22 =	vsel vm0, v22, v40;
	v28 =	vld [tilespmem:s22+$0x4480];
	[tilespmem:s22+$0x4580] =	vst v29;
	s21 =	spop (v2sf)  }
0x15d: {  	v21 =	vsel vm0, v21, v42;
	s21 =	sadd.s32 s17, s21;
	[tilespmem:s22+$0x4540] =	vst v22;
	s23 =	spop (v2sf)  }
0x15e: {  	s23 =	sadd.s32 s19, s23;
	[tilespmem:s22+$0x4500] =	vst v21;
	v21 =	vsel vm0, s21, v41;
	s21 =	spop (v2sf)  }
0x15f: {  	v22 =	vsel vm0, s23, v44;
	[tilespmem:s22+$0x4440] =	vst v21;
	s21 =	sadd.s32 s18, s21;
	s23 =	spop (v2sf)  }
0x160: {  	[tilespmem:s22+$0x4400] =	vst v22;
	s23 =	sadd.s32 s20, s23;
	v21 =	vsel vm0, s21, v39  }
0x161: {  	v22 =	vsel vm0, s23, v28;
	[tilespmem:s22+$0x44C0] =	vst v21  }
0x162: {  	v21 =	vbroadcast v34, $0x0;
	[tilespmem:s22+$0x4480] =	vst v22  }
0x163: {  	[tilespmem:s19+$0x0] =	vst v37  }
0x164: {  	vm0 =	veq.s32 v21, v0;
	[tilespmem:s17+$0x1000] =	vst v35;
	(xrf0) =	vmax.scan.msk.f32 $0xffff, v35  }
0x165: {  	v21 =	vsel vm0, $0xFF800000, v33;
	[tilespmem:s20+$0x2000] =	vst v36  }
0x166: {  	[tilespmem:s18+$0x3000] =	vst v21;
	(xrf0) =	vmax.scan.msk.f32 $0xffff, v21  }
0x167: {  	v21 =	vld [tilespmem:s14+$0x4000]  }
0x168: {  	v22 =	vld [tilespmem:s12+$0x4100]  }
0x169: {  	v28 =	vld [tilespmem:s15+$0x4200]  }
0x16a: {  	v29 =	vbroadcast v43, $0xF;
	v33 =	vld [tilespmem:s13+$0x4300];
	v34, _, _ =	vpop (xrf0)  }
0x16b: {  	vm1 =	veq.s32 v31, v0;
	vm0 =	veq.s32 v30, v0;
	v30 =	vbroadcast v34, $0xF  }
0x16c: {  	v21 =	vsel vm0, v29, v21;
	vm0 =	veq.s32 v32, v0;
	v29 =	vbroadcast v38, $0xF;
	v31, _, _ =	vpop (xrf0)  }
0x16d: {  	v22 =	vsel vm1, v30, v22;
	v30 =	vbroadcast v31, $0xF;
	[tilespmem:s14+$0x4000] =	vst v21;
	(xrf0) =	vmax.scan.msk.f32 $0xffff, v21  }
0x16e: {  	v21 =	vsel vm0, v29, v28;
	vm0 =	veq.s32 v27, v0;
	[tilespmem:s12+$0x4100] =	vst v22;
	(xrf0) =	vmax.scan.msk.f32 $0xffff, v22  }
0x16f: {  	v22 =	vsel vm0, v30, v33;
	[tilespmem:s15+$0x4200] =	vst v21;
	(xrf0) =	vmax.scan.msk.f32 $0xffff, v21  }
0x170: {  	[tilespmem:s13+$0x4300] =	vst v22;
	(xrf0) =	vmax.scan.msk.f32 $0xffff, v22;
	_ =	sdelay $0x2  }
0x171: {  	v21, _, _ =	vpop (xrf0)  }
0x172: {  	v21 =	vbroadcast v21, $0xF;
	v22, _, _ =	vpop (xrf0)  }
0x173: {  	vm0 =	veq.s32 v25, v0;
	v22 =	vbroadcast v22, $0xF;
	v25, _, _ =	vpop (xrf0)  }
0x174: {  	v17 =	vsel vm0, v21, v17;
	vm0 =	veq.s32 v24, v0;
	v21 =	vbroadcast v25, $0xF;
	v24, _, _ =	vpop (xrf0)  }
0x175: {  	v20 =	vsel vm0, v22, v20;
	vm0 =	veq.s32 v26, v0;
	v22 =	vbroadcast v24, $0xF  }
0x176: {  	(xrf0) =	vmax.scan.msk.f32 $0xffff, v20;
	v18 =	vsel vm0, v21, v18;
	vm0 =	veq.s32 v23, v0  }
0x177: {  	(xrf0) =	vmax.scan.msk.f32 $0xffff, v17;
	v19 =	vsel vm0, v22, v19  }
0x178: {  	(xrf0) =	vmax.scan.msk.f32 $0xffff, v19  }
0x179: {  	(xrf0) =	vmax.scan.msk.f32 $0xffff, v18;
	_ =	sdelay $0x2  }
0x17a: {  	v21, _, _ =	vpop (xrf0)  }
0x17b: {  	v22 =	vbroadcast v21, $0xF;
	v21, _, _ =	vpop (xrf0)  }
0x17c: {  	v21 =	vbroadcast v21, $0xF;
	v23, _, _ =	vpop (xrf0)  }
0x17d: {  	vm0 =	veq.f32 v20, v22;
	v28 =	vbroadcast v23, $0xF;
	v23, _, _ =	vpop (xrf0)  }
0x17e: {  	vm1 =	veq.f32 v17, v21;
	v24 =	vmctz.xlane vm0;
	v29 =	vbroadcast v23, $0xF  }
0x17f: {  	v23 =	vmctz.xlane vm1;
	vm0 =	veq.f32 v19, v28  }
0x180: {  	vm1 =	veq.f32 v18, v29;
	v26 =	vmctz.xlane vm0;
	(v2sf) =	vpush v24, $0x0  }
0x181: {  	v27 =	vmctz.xlane vm1;
	v25 =	vbroadcast v23, $0x0;
	(v2sf) =	vpush v23, $0x0  }
0x182: {  	v24 =	vbroadcast v24, $0x0;
	v23 =	vbroadcast v26, $0x0;
	(v2sf) =	vpush v26, $0x0  }
0x183: {  	v26 =	vbroadcast v27, $0x0;
	(v2sf) =	vpush v27, $0x0;
	_ =	sdelay $0xb  }
0x184: {  	s12 =	spop (v2sf)  }
0x185: {  	s12 =	sshll.u32 s12, $0x4;
	s13 =	spop (v2sf)  }
0x186: {  	s14 =	sshll.u32 s13, $0x4;
	v27 =	vld [tilespmem:s12+$0x4100];
	s13 =	spop (v2sf)  }
0x187: {  	v30 =	vld [tilespmem:s14+$0x4000];
	s13 =	sshll.u32 s13, $0x4;
	s15 =	spop (v2sf)  }
0x188: {  	s15 =	sshll.u32 s15, $0x4;
	v31 =	vld [tilespmem:s13+$0x4300]  }
0x189: {  	v32 =	vld [tilespmem:s15+$0x4200];
	_ =	sdelay $0x1  }
0x18a: {  	vm0 =	veq.f32 v27, v22  }
0x18b: {  	vm1 =	veq.f32 v30, v21;
	v27 =	vmctz.xlane vm0  }
0x18c: {  	v33 =	vmctz.xlane vm1;
	vm0 =	veq.f32 v31, v28  }
0x18d: {  	vm1 =	veq.f32 v32, v29;
	v32 =	vmctz.xlane vm0;
	(v2sf) =	vpush v27, $0x0  }
0x18e: {  	v34 =	vmctz.xlane vm1;
	v30 =	vbroadcast v33, $0x0;
	(v2sf) =	vpush v33, $0x0  }
0x18f: {  	v31 =	vbroadcast v27, $0x0;
	v27 =	vbroadcast v32, $0x0;
	(v2sf) =	vpush v32, $0x0  }
0x190: {  	v32 =	vbroadcast v34, $0x0;
	(v2sf) =	vpush v34, $0x0;
	_ =	sdelay $0xb  }
0x191: {  	s17 =	spop (v2sf)  }
0x192: {  	s17 =	sadd.s32 s12, s17;
	s18 =	spop (v2sf)  }
0x193: {  	s18 =	sadd.s32 s14, s18;
	s17 =	sshll.u32 s17, $0x4;
	s19 =	spop (v2sf)  }
0x194: {  	s20 =	sadd.s32 s13, s19;
	s19 =	sshll.u32 s18, $0x4;
	v35 =	vld [tilespmem:s17+$0x1000];
	s18 =	spop (v2sf)  }
0x195: {  	s21 =	sadd.s32 s15, s18;
	v37 =	vld [tilespmem:s19+$0x0];
	s18 =	sshll.u32 s20, $0x4  }
0x196: {  	s20 =	sshll.u32 s21, $0x4;
	v33 =	vld [tilespmem:s18+$0x3000]  }
0x197: {  	v36 =	vld [tilespmem:s20+$0x2000];
	_ =	sdelay $0x1  }
.Ltmp1:
0x198: {  	vm0 =	veq.f32 v35, v22;
	(pc) =	sbr.rel @p0 .LBB2_4-.Ltmp1, $4  }
0x199: {  	vm1 =	veq.f32 v37, v21;
	v38 =	vmctz.xlane vm0  }
0x19a: {  	v41 =	vmctz.xlane vm1;
	vm0 =	veq.f32 v33, v28  }
0x19b: {  	vm1 =	veq.f32 v36, v29;
	v34 =	vmctz.xlane vm0;
	(v2sf) =	vpush v38, $0x0  }
0x19c: {  	v39 =	vmctz.xlane vm1;
	v40 =	vbroadcast v41, $0x0;
	(v2sf) =	vpush v41, $0x0  }
0x19d: {  	(v2sf) =	vpush v34, $0x0  }
0x19e: {  	(v2sf) =	vpush v39, $0x0;
	_ =	sdelay $0x3  }
0x19f: {  	s16 =	sand.u32 $0x30, s11  }
0x1a0: {  	v17 =	vld [tilespmem:s16+$0x45C0]  }
0x1a1: {  	v18 =	vld [tilespmem:s16+$0x4580]  }
0x1a2: {  	s28 =	sand.u32 $0xF, s11;
	v19 =	vld [tilespmem:s16+$0x4540]  }
0x1a3: {  	v20 =	vmov s28;
	v23 =	vld [tilespmem:s16+$0x4500]  }
0x1a4: {  	v55 =	vld [tilespmem:s16+$0x4440];
	vm0 =	veq.s32 v20, v0  }
0x1a5: {  	v24 =	vld [tilespmem:s16+$0x4400];
	v17 =	vsel vm0, v28, v17  }
0x1a6: {  	v18 =	vsel vm0, v29, v18;
	[tilespmem:s16+$0x45C0] =	vst v17;
	v17 =	vld [tilespmem:s16+$0x44C0]  }
0x1a7: {  	v56 =	vld [tilespmem:s16+$0x4480];
	v19 =	vsel vm0, v22, v19;
	[tilespmem:s16+$0x4580] =	vst v18;
	s29 =	spop (v2sf)  }
0x1a8: {  	v18 =	vsel vm0, v21, v23;
	[tilespmem:s16+$0x4540] =	vst v19;
	s11 =	sadd.s32 s17, s29;
	s21 =	spop (v2sf)  }
0x1a9: {  	v57 =	vbroadcast v39, $0x0;
	[tilespmem:s16+$0x4500] =	vst v18;
	s21 =	sadd.s32 s19, s21;
	v18 =	vsel vm0, s11, v55;
	s30 =	spop (v2sf)  }
0x1aa: {  	v19 =	vbroadcast v38, $0x0;
	v58 =	vsel vm0, s21, v24;
	[tilespmem:s16+$0x4440] =	vst v18;
	s11 =	sadd.s32 s18, s30;
	s31 =	spop (v2sf)  }
0x1ab: {  	vm1 =	veq.s32 v40, v0;
	vm10 =	veq.s32 v57, v0;
	[tilespmem:s16+$0x4400] =	vst v58;
	s21 =	sadd.s32 s20, s31;
	v17 =	vsel vm0, s11, v17  }
0x1ac: {  	vm9 =	veq.s32 v19, v0;
	v18 =	vsel vm1, $0xFF800000, v37;
	v19 =	vsel vm0, s21, v56;
	[tilespmem:s16+$0x44C0] =	vst v17  }
0x1ad: {  	(xrf0) =	vmax.scan.msk.f32 $0xffff, v18;
	v17 =	vsel vm10, $0xFF800000, v36;
	[tilespmem:s16+$0x4480] =	vst v19;
	v19 =	vbroadcast v34, $0x0  }
0x1ae: {  	v59 =	vsel vm9, $0xFF800000, v35;
	(xrf0) =	vmax.scan.msk.f32 $0xffff, v17;
	[tilespmem:s19+$0x0] =	vst v18  }
0x1af: {  	(xrf0) =	vmax.scan.msk.f32 $0xffff, v59;
	vm11 =	veq.s32 v19, v0;
	[tilespmem:s17+$0x1000] =	vst v59  }
0x1b0: {  	v18 =	vsel vm11, $0xFF800000, v33;
	[tilespmem:s20+$0x2000] =	vst v17  }
0x1b1: {  	[tilespmem:s18+$0x3000] =	vst v18;
	(xrf0) =	vmax.scan.msk.f32 $0xffff, v18  }
0x1b2: {  	v17 =	vld [tilespmem:s14+$0x4000]  }
0x1b3: {  	v19 =	vld [tilespmem:s12+$0x4100];
	v18, _, _ =	vpop (xrf0)  }
0x1b4: {  	v21 =	vld [tilespmem:s15+$0x4200];
	v60, _, _ =	vpop (xrf0)  }
0x1b5: {  	v61 =	vld [tilespmem:s13+$0x4300];
	v18 =	vbroadcast v18, $0xF;
	v62, _, _ =	vpop (xrf0)  }
0x1b6: {  	vm12 =	veq.s32 v30, v0;
	v23 =	vbroadcast v62, $0xF  }
0x1b7: {  	vm13 =	veq.s32 v31, v0;
	v17 =	vsel vm12, v18, v17;
	v18 =	vbroadcast v60, $0xF;
	v63, _, _ =	vpop (xrf0)  }
0x1b8: {  	vm14 =	veq.s32 v32, v0;
	v19 =	vsel vm13, v23, v19;
	v20 =	vbroadcast v63, $0xF;
	(xrf0) =	vmax.scan.msk.f32 $0xffff, v17  }
0x1b9: {  	vm15 =	veq.s32 v27, v0;
	v18 =	vsel vm14, v18, v21;
	(xrf0) =	vmax.scan.msk.f32 $0xffff, v19  }
0x1ba: {  	v20 =	vsel vm15, v20, v61;
	(xrf0) =	vmax.scan.msk.f32 $0xffff, v18  }
0x1bb: {  	(xrf0) =	vmax.scan.msk.f32 $0xffff, v20;
	_ =	sdelay $0x1  }
0x1bc: {  	[tilespmem:s14+$0x4000] =	vst v17  }
0x1bd: {  	[tilespmem:s12+$0x4100] =	vst v19;
	v17, _, _ =	vpop (xrf0)  }
0x1be: {  	[tilespmem:s15+$0x4200] =	vst v18;
	v17, _, _ =	vpop (xrf0)  }
0x1bf: {  	[tilespmem:s13+$0x4300] =	vst v20;
	v17, _, _ =	vpop (xrf0)  }
0x1c0: {  	[hbm4b:s4+s2] =	stream.linear.scatter [tilespmem:s8], [sflag:$0x1], $0x100, $0x38;
	v17, _, _ =	vpop (xrf0);
	[tilespmem:$0x4600] =	vst v63  }
0x1c1: {  	s10 =	sadd.s32 $0x1, s10;
	_ =	swait.ge [sflag:s7], $0x100  }
0x1c2: {  	p0 =	sne.s32 s10, s6;
	[sflag:s7] =	ssyncset.done $0x0  }
.Ltmp2:
0x1c3: {  	[sflag:s7] =	ssyncadd.s32 $0xFFFFFF00;
	(pc) =	sbr.rel @p0 .LBB2_1-.Ltmp2, $4  }
0x1c4: {  	[hbm4b:s5+s2] =	stream.linear.scatter [tilespmem:s9], [sflag:$0x1], $0x100, $0x38;
	[tilespmem:$0x4600] =	vst v63  }
0x1c5: {  	_ =	swait.ge [sflag:s7], $0x100  }
0x1c6: {  	[sflag:s7] =	ssyncset.done $0x0  }
0x1c7: {  	[sflag:s7] =	ssyncadd.s32 $0xFFFFFF00  }
0x1c8: {  	_ =	sfence.sel $0x180000  }
0x1c9: {  	[bflag:$0x0] =	sbarrier.arrive $0xFFFF  }
0x1ca: {  	p0 =	sne.s32 s1, $0x0;
	_ =	strace $0x90000047  }
0x1cb: {  	s0 =	sadd.s32 @!p0 $0x100000, s0;
	[bflag:$0x2] =	sbarrier.arrive $0xFFFF  }
0x1cc: {  	[sflag:s0] =	ssyncadd.tile.s32 @!p0 $0x1;
	_ =	shalt  }
.Lfunc_end2:
_tile_overlayer_lowered:
.L_overlay_start_2:
0x1cd: {  	(tag) =	ssettag $0x2  }
0x1ce: {  	s0 =	rddreg [dreg:$0x0];
	s2 =	stileid.u32  }
0x1cf: {  	s1 =	rddreg [dreg:$0x1];
	p0 =	sne.s32 s2, $0x0  }
0x1d0: {  	s3 =	rddreg [dreg:$0x2];
	[bflag:$0x3] =	sbarrier.arrive $0xFFFF;
	s2 =	simm.s32 @!p0 $0x1C01  }
0x1d1: {  	[timem:s3], [sflag:s2] =	dma.local @!p0 [hbm:s0], s1  }
0x1d2: {  	s0 =	simm.s32 @!p0 $0x1  }
0x1d3: {  	_ =	swait.ge @!p0 [sflag:s0], s1  }
0x1d4: {  	s1 =	ssub.s32 @!p0 $0x0, s1;
	[sflag:s0] =	ssyncset.done @!p0 $0x0  }
0x1d5: {  	[sflag:s0] =	ssyncadd.s32 @!p0 s1  }
0x1d6: {  	[bflag:$0x3] =	sbarrier.arrive $0xFFFF  }
0x1d7: {  	_ =	shalt  }

</sc_bundles>
